<compile_context>
chip_gen: v7x
topology: tpu7x:2x2x1
jax: 0.10.2.dev20260603
libtpu: 0.0.44.dev20260713+nightly
codegen_flags: <defaults>
</compile_context>

<pallas_src>
import functools

import jax
import jax.numpy as jnp
from jax import lax
from jax.experimental import pallas as pl
from jax.experimental.pallas import tpu as pltpu
from jax.experimental.pallas import tpu_sc as plsc

N = 10000
E = 320000
D = 128
DH = D // 2
NC, NS = 2, 16
NW = NC * NS
CH = 125
EPT = E // NW
NCH1 = EPT // CH
EPS = E // NS
CH3 = 125
NCH3 = EPS // CH3
NPAD = 10240
STRIPE = NPAD // NS

_mesh = plsc.VectorSubcoreMesh(core_axis_name="c", subcore_axis_name="s")


def _make_deg_kernel(which):
    @functools.partial(
        pl.kernel,
        out_type=jax.ShapeDtypeStruct((NC, NPAD, 16), jnp.float32),
        mesh=_mesh,
        scratch_types=[
            pltpu.VMEM((NCH1, CH), jnp.int32),
            pltpu.VMEM((CH, 16), jnp.float32),
            pltpu.VMEM_SHARED((NPAD, 16), jnp.float32),
            pltpu.SemaphoreType.DMA,
        ],
        compiler_params=pltpu.CompilerParams(use_tc_tiling_on_sc=False),
        name=f"deg_hist_{which}",
    )
    def deg_kernel(edges_hbm, e0_hbm, z16_hbm, degp_hbm,
                   idx, ev0, hist_sh, sem0):
        c = lax.axis_index("c")
        s = lax.axis_index("s")
        w = c * NS + s

        pltpu.sync_copy(z16_hbm, hist_sh.at[pl.ds(s * STRIPE, STRIPE)])
        pltpu.sync_copy(e0_hbm, ev0)
        pltpu.sync_copy(edges_hbm.at[which, w], idx)
        plsc.subcore_barrier()

        W = 4

        def scat(g):
            pltpu.async_copy(ev0, hist_sh.at[idx.at[g]], sem0, add=True)

        def wait_one(g):
            pltpu.make_async_copy(ev0, hist_sh.at[idx.at[g]], sem0).wait()

        for g in range(W):
            scat(g)

        def body(g, carry):
            scat(g)
            wait_one(g - W)
            return carry

        lax.fori_loop(W, NCH1, body, 0)
        for g in range(NCH1 - W, NCH1):
            wait_one(g)
        plsc.subcore_barrier()
        pltpu.sync_copy(hist_sh.at[pl.ds(s * STRIPE, STRIPE)],
                        degp_hbm.at[c, pl.ds(s * STRIPE, STRIPE)])

    return deg_kernel


_deg_out_kernel = _make_deg_kernel(0)
_deg_in_kernel = _make_deg_kernel(1)


@functools.partial(
    pl.kernel,
    out_type=jax.ShapeDtypeStruct((NC, NPAD, DH), jnp.float32),
    mesh=_mesh,
    scratch_types=[
        pltpu.VMEM((NCH3, CH3), jnp.int32),
        pltpu.VMEM((NCH3, CH3), jnp.int32),
        pltpu.VMEM((4, CH3, DH), jnp.float32),
        pltpu.VMEM_SHARED((NPAD, DH), jnp.float32),
        [pltpu.SemaphoreType.DMA] * 4,
        [pltpu.SemaphoreType.DMA] * 4,
    ],
    compiler_params=pltpu.CompilerParams(use_tc_tiling_on_sc=False),
)
def _agg_kernel(featsrc_hbm, edges_hbm, zrows_hbm, out_hbm,
                idx_s, idx_d, rows, h_sh, sem_g, sem_s):
    c = lax.axis_index("c")
    s = lax.axis_index("s")

    pltpu.sync_copy(zrows_hbm, h_sh.at[pl.ds(s * STRIPE, STRIPE)])
    pltpu.sync_copy(edges_hbm.at[0, s], idx_s)
    pltpu.sync_copy(edges_hbm.at[1, s], idx_d)
    plsc.subcore_barrier()

    fsrc = featsrc_hbm.at[c]

    def gather(g, b):
        pltpu.async_copy(fsrc.at[idx_s.at[g]], rows.at[b], sem_g[b])

    def wait_gather(g, b):
        pltpu.make_async_copy(fsrc.at[idx_s.at[g]], rows.at[b], sem_g[b]).wait()

    def scatter(g, b):
        pltpu.async_copy(rows.at[b], h_sh.at[idx_d.at[g]], sem_s[b], add=True)

    def wait_scatter(g, b):
        pltpu.make_async_copy(rows.at[b], h_sh.at[idx_d.at[g]],
                              sem_s[b]).wait()

    def step(g, b_main, b_pre, skip_ws=False, skip_gather=False):
        if not skip_ws:
            wait_scatter(g - 2, b_pre)
        if not skip_gather:
            gather(g + 2, b_pre)
        wait_gather(g, b_main)
        scatter(g, b_main)

    gather(0, 0)
    gather(1, 1)
    step(0, 0, 2, skip_ws=True)
    step(1, 1, 3, skip_ws=True)

    def body(gg, carry):
        g = 4 * gg + 2
        for k in range(4):
            step(g + k, (2 + k) % 4, k % 4)
        return carry

    lax.fori_loop(0, (NCH3 - 4) // 4, body, 0)
    step(NCH3 - 2, (NCH3 - 2) % 4, NCH3 % 4, skip_gather=True)
    step(NCH3 - 1, (NCH3 - 1) % 4, (NCH3 + 1) % 4, skip_gather=True)
    wait_scatter(NCH3 - 2, (NCH3 - 2) % 4)
    wait_scatter(NCH3 - 1, (NCH3 - 1) % 4)

    plsc.subcore_barrier()
    pltpu.sync_copy(h_sh.at[pl.ds(s * STRIPE, STRIPE)],
                    out_hbm.at[c, pl.ds(s * STRIPE, STRIPE)])


_RB = 2000


def _scale_body(feat_ref, deg_ref, out_ref):
    d = deg_ref[0, :, 0:1] + deg_ref[1, :, 0:1]
    norm = lax.rsqrt(jnp.maximum(d, 1.0) + 1.0)
    scaled = feat_ref[...] * norm
    out_ref[0] = scaled[:, :DH]
    out_ref[1] = scaled[:, DH:]


def _final_body(feat_ref, h_ref, deg_ref, out_ref):
    d = deg_ref[0, :, 0:1] + deg_ref[1, :, 0:1]
    norm = lax.rsqrt(jnp.maximum(d, 1.0) + 1.0)
    h = jnp.concatenate([h_ref[0], h_ref[1]], axis=1)
    out_ref[...] = (feat_ref[...] + h) * norm


def _scale(feat, degp):
    return pl.pallas_call(
        _scale_body,
        grid=(N // _RB,),
        in_specs=[
            pl.BlockSpec((_RB, D), lambda i: (i, 0)),
            pl.BlockSpec((NC, _RB, 16), lambda i: (0, i, 0)),
        ],
        out_specs=pl.BlockSpec((NC, _RB, DH), lambda i: (0, i, 0)),
        out_shape=jax.ShapeDtypeStruct((NC, N, DH), jnp.float32),
    )(feat, degp)


def _final(feat, h2, degp):
    return pl.pallas_call(
        _final_body,
        grid=(N // _RB,),
        in_specs=[
            pl.BlockSpec((_RB, D), lambda i: (i, 0)),
            pl.BlockSpec((NC, _RB, DH), lambda i: (0, i, 0)),
            pl.BlockSpec((NC, _RB, 16), lambda i: (0, i, 0)),
        ],
        out_specs=pl.BlockSpec((_RB, D), lambda i: (i, 0)),
        out_shape=jax.ShapeDtypeStruct((N, D), jnp.float32),
    )(feat, h2, degp)


def kernel(feat, edge_index):
    ei = edge_index.astype(jnp.int32)
    edges_k1 = ei.reshape(2, NW, NCH1, CH)
    edges_k3 = ei.reshape(2, NS, NCH3, CH3)

    e0 = jnp.zeros((CH, 16), jnp.float32).at[:, 0].set(1.0)
    z16 = jnp.zeros((STRIPE, 16), jnp.float32)
    zrows = jnp.zeros((STRIPE, DH), jnp.float32)

    dego = _deg_out_kernel(edges_k1, e0, z16)
    degi = _deg_in_kernel(edges_k1, e0, z16)
    feat_src = _scale(feat, dego)
    h2 = _agg_kernel(feat_src, edges_k3, zrows)
    return _final(feat, h2, degi)

# --- scband reference (transcript-rebuilt; emitter-appended) ---
"""Pipeline reference for scband-graph-conv-1786706395354 (READ-ONLY COPY).

The authoritative reference and input builder live on the scoring server;
editing this copy changes nothing except your own understanding.
"""

import jax, jax.numpy as jnp
import numpy as np

N_NODES = 10000
N_EDGES = 320000
D_FEAT = 128


def setup_inputs(seed: int = 0) -> dict:
    key = jax.random.key(seed)
    k1, k2 = jax.random.split(key)
    feat = jax.random.normal(k1, (N_NODES, D_FEAT), dtype=jnp.float32)
    edge_index = jax.random.randint(k2, (2, N_EDGES), 0, N_NODES, dtype=jnp.int64)
    return {"feat": feat, "edge_index": edge_index}


def reference(feat, edge_index):
    # DGL GraphConv with norm='both', no weight, no activation.
    # rst = D_in^{-1/2} * ( feat + A^T (D_out^{-1/2} feat) )
    # where degrees are clamp(min=1) + 1 as in the original code.
    n = feat.shape[0]
    src = edge_index[0]
    dst = edge_index[1]

    # left normalization by (out-degree clamped to >=1, plus 1)^{-1/2}
    out_deg = jnp.bincount(src, length=n).astype(feat.dtype)
    degs_out = jnp.clip(out_deg, 1.0, None) + 1.0
    norm_out = jnp.power(degs_out, -0.5)[:, None]
    feat_src = feat * norm_out

    # message passing: copy_u then sum over incoming edges (scatter-add)
    msgs = jnp.take(feat_src, src, axis=0)
    h_neigh = jax.ops.segment_sum(msgs, dst, num_segments=n)

    # residual self connection: feat_dst + aggregated neighbors
    rst = feat + h_neigh

    # right normalization by (in-degree clamped to >=1, plus 1)^{-1/2}
    in_deg = jnp.bincount(dst, length=n).astype(feat.dtype)
    degs_in = jnp.clip(in_deg, 1.0, None) + 1.0
    norm_in = jnp.power(degs_in, -0.5)[:, None]
    rst = rst * norm_in
    return rst

if __name__ == "__main__":
    import jax
    _d = setup_inputs()
    print(jax.jit(kernel)(*tuple(_d.values())))

</pallas_src>

<mosaic_0001>
#map = affine_map<(d0, d1) -> (0, 0, 0, 0)>
#map1 = affine_map<(d0, d1) -> (0, 0)>
#map2 = affine_map<(d0, d1) -> (0, 0, 0)>
module attributes {stable_mosaic.version = 14 : i64} {
  func.func @deg_hist_0(%arg0: i32, %arg1: i32, %arg2: memref<2x32x80x125xi32, #tpu.memory_space<hbm>>, %arg3: memref<125x16xf32, #tpu.memory_space<hbm>>, %arg4: memref<640x16xf32, #tpu.memory_space<hbm>>, %arg5: memref<2x10240x16xf32, #tpu.memory_space<hbm>>, %arg6: memref<80x125xi32, #tpu.memory_space<vmem>>, %arg7: memref<125x16xf32, #tpu.memory_space<vmem>>, %arg8: memref<10240x16xf32, #tpu.memory_space<vmem_shared>>, %arg9: memref<!tpu.dma_semaphore, #tpu.memory_space<semaphore_mem>>) attributes {dimension_semantics = [#tpu.dimension_semantics<core_parallel>, #tpu.dimension_semantics<subcore_parallel>], iteration_bounds = array<i64: 2, 16>, scalar_prefetch = 0 : i64, scratch_operands = 4 : i64, tpu.core_type = #tpu.core_type<sc_vector_subcore>, window_params = [{transform_indices = #map}, {transform_indices = #map1}, {transform_indices = #map1}, {transform_indices = #map2}]} {
    %mul3A = arith.constant 16 : i32
    %mul3A_0 = arith.muli %arg0, %mul3A : i32
    %add3A = arith.addi %mul3A_0, %arg1 : i32
    %mul3A_1 = arith.constant 640 : i32
    %mul3A_2 = arith.muli %arg1, %mul3A_1 : i32
    "tpu.region"() ({
      %run_scoped3A_67 = tpu.sem_alloc : memref<!tpu.dma_semaphore, #tpu.memory_space<semaphore_mem>>
      %dma_start3A_68 = arith.constant 0 : i32
      %dma_start3A_69 = tpu.memref_slice %arg8[%mul3A_2, %dma_start3A_68] : memref<10240x16xf32, #tpu.memory_space<vmem_shared>> -> memref<640x16xf32, #tpu.memory_space<vmem_shared>>
      tpu.enqueue_dma source(%arg4 : memref<640x16xf32, #tpu.memory_space<hbm>>) target(%dma_start3A_69 : memref<640x16xf32, #tpu.memory_space<vmem_shared>>) target_semaphore(%run_scoped3A_67 : memref<!tpu.dma_semaphore, #tpu.memory_space<semaphore_mem>>)
      %dma_wait3A_70 = arith.constant 0 : i32
      %dma_wait3A_71 = tpu.memref_slice %arg8[%mul3A_2, %dma_wait3A_70] : memref<10240x16xf32, #tpu.memory_space<vmem_shared>> -> memref<640x16xf32, #tpu.memory_space<vmem_shared>>
      tpu.wait_dma2 semaphore(%run_scoped3A_67 : memref<!tpu.dma_semaphore, #tpu.memory_space<semaphore_mem>>) src(%arg4 : memref<640x16xf32, #tpu.memory_space<hbm>>) dst(%dma_wait3A_71 : memref<640x16xf32, #tpu.memory_space<vmem_shared>>)
      tpu.yield
    }) : () -> ()
    "tpu.region"() ({
      %run_scoped3A_67 = tpu.sem_alloc : memref<!tpu.dma_semaphore, #tpu.memory_space<semaphore_mem>>
      tpu.enqueue_dma source(%arg3 : memref<125x16xf32, #tpu.memory_space<hbm>>) target(%arg7 : memref<125x16xf32, #tpu.memory_space<vmem>>) target_semaphore(%run_scoped3A_67 : memref<!tpu.dma_semaphore, #tpu.memory_space<semaphore_mem>>)
      tpu.wait_dma2 semaphore(%run_scoped3A_67 : memref<!tpu.dma_semaphore, #tpu.memory_space<semaphore_mem>>) src(%arg3 : memref<125x16xf32, #tpu.memory_space<hbm>>) dst(%arg7 : memref<125x16xf32, #tpu.memory_space<vmem>>)
      tpu.yield
    }) : () -> ()
    %run_scoped3A = arith.constant 0 : i32
    "tpu.region"() ({
      %run_scoped3A_67 = tpu.sem_alloc : memref<!tpu.dma_semaphore, #tpu.memory_space<semaphore_mem>>
      %dma_start3A_68 = arith.constant 0 : i32
      %dma_start3A_69 = arith.constant 0 : i32
      %dma_start3A_70 = tpu.memref_slice %arg2[%run_scoped3A, %add3A, %dma_start3A_68, %dma_start3A_69] : memref<2x32x80x125xi32, #tpu.memory_space<hbm>> -> memref<1x1x80x125xi32, #tpu.memory_space<hbm>>
      %dma_start3A_71 = tpu.memref_squeeze %dma_start3A_70 : memref<1x1x80x125xi32, #tpu.memory_space<hbm>> -> memref<80x125xi32, #tpu.memory_space<hbm>>
      %dma_start3A_72 = arith.constant 0 : i32
      %dma_start3A_73 = arith.constant 0 : i32
      %dma_start3A_74 = tpu.memref_slice %arg2[%run_scoped3A, %add3A, %dma_start3A_72, %dma_start3A_73] : memref<2x32x80x125xi32, #tpu.memory_space<hbm>> -> memref<1x1x80x125xi32, #tpu.memory_space<hbm>>
      %dma_start3A_75 = tpu.memref_squeeze %dma_start3A_74 : memref<1x1x80x125xi32, #tpu.memory_space<hbm>> -> memref<80x125xi32, #tpu.memory_space<hbm>>
      tpu.enqueue_dma source(%dma_start3A_75 : memref<80x125xi32, #tpu.memory_space<hbm>>) target(%arg6 : memref<80x125xi32, #tpu.memory_space<vmem>>) target_semaphore(%run_scoped3A_67 : memref<!tpu.dma_semaphore, #tpu.memory_space<semaphore_mem>>)
      %dma_wait3A_76 = arith.constant 0 : i32
      %dma_wait3A_77 = arith.constant 0 : i32
      %dma_wait3A_78 = tpu.memref_slice %arg2[%run_scoped3A, %add3A, %dma_wait3A_76, %dma_wait3A_77] : memref<2x32x80x125xi32, #tpu.memory_space<hbm>> -> memref<1x1x80x125xi32, #tpu.memory_space<hbm>>
      %dma_wait3A_79 = tpu.memref_squeeze %dma_wait3A_78 : memref<1x1x80x125xi32, #tpu.memory_space<hbm>> -> memref<80x125xi32, #tpu.memory_space<hbm>>
      %dma_wait3A_80 = arith.constant 0 : i32
      %dma_wait3A_81 = arith.constant 0 : i32
      %dma_wait3A_82 = tpu.memref_slice %arg2[%run_scoped3A, %add3A, %dma_wait3A_80, %dma_wait3A_81] : memref<2x32x80x125xi32, #tpu.memory_space<hbm>> -> memref<1x1x80x125xi32, #tpu.memory_space<hbm>>
      %dma_wait3A_83 = tpu.memref_squeeze %dma_wait3A_82 : memref<1x1x80x125xi32, #tpu.memory_space<hbm>> -> memref<80x125xi32, #tpu.memory_space<hbm>>
      tpu.wait_dma2 semaphore(%run_scoped3A_67 : memref<!tpu.dma_semaphore, #tpu.memory_space<semaphore_mem>>) src(%dma_wait3A_83 : memref<80x125xi32, #tpu.memory_space<hbm>>) dst(%arg6 : memref<80x125xi32, #tpu.memory_space<vmem>>)
      tpu.yield
    }) : () -> ()
    %barrier3A = arith.constant 0 : index
    tpu.barrier barrier_id(%barrier3A)
    %dma_start3A = arith.constant 0 : i32
    %dma_start3A_3 = arith.constant 0 : i32
    %dma_start3A_4 = tpu.memref_slice %arg6[%dma_start3A, %dma_start3A_3] : memref<80x125xi32, #tpu.memory_space<vmem>> -> memref<1x125xi32, #tpu.memory_space<vmem>>
    %dma_start3A_5 = tpu.memref_squeeze %dma_start3A_4 : memref<1x125xi32, #tpu.memory_space<vmem>> -> memref<125xi32, #tpu.memory_space<vmem>>
    %dma_start3A_6 = arith.constant 0 : i32
    %dma_start3A_7 = arith.constant 0 : i32
    %dma_start3A_8 = tpu.memref_slice %arg8[%dma_start3A_6, %dma_start3A_7] : memref<10240x16xf32, #tpu.memory_space<vmem_shared>> -> memref<10240x16xf32, #tpu.memory_space<vmem_shared>>
    tpu.enqueue_indirect_dma source(%arg7 : memref<125x16xf32, #tpu.memory_space<vmem>>) target(%dma_start3A_8 : memref<10240x16xf32, #tpu.memory_space<vmem_shared>>) offsets(%dma_start3A_5 : memref<125xi32, #tpu.memory_space<vmem>>) semaphore(%arg9 : memref<!tpu.dma_semaphore, #tpu.memory_space<semaphore_mem>>) {add = true}
    %dma_start3A_9 = arith.constant 1 : i32
    %dma_start3A_10 = arith.constant 0 : i32
    %dma_start3A_11 = tpu.memref_slice %arg6[%dma_start3A_9, %dma_start3A_10] : memref<80x125xi32, #tpu.memory_space<vmem>> -> memref<1x125xi32, #tpu.memory_space<vmem>>
    %dma_start3A_12 = tpu.memref_squeeze %dma_start3A_11 : memref<1x125xi32, #tpu.memory_space<vmem>> -> memref<125xi32, #tpu.memory_space<vmem>>
    %dma_start3A_13 = arith.constant 0 : i32
    %dma_start3A_14 = arith.constant 0 : i32
    %dma_start3A_15 = tpu.memref_slice %arg8[%dma_start3A_13, %dma_start3A_14] : memref<10240x16xf32, #tpu.memory_space<vmem_shared>> -> memref<10240x16xf32, #tpu.memory_space<vmem_shared>>
    tpu.enqueue_indirect_dma source(%arg7 : memref<125x16xf32, #tpu.memory_space<vmem>>) target(%dma_start3A_15 : memref<10240x16xf32, #tpu.memory_space<vmem_shared>>) offsets(%dma_start3A_12 : memref<125xi32, #tpu.memory_space<vmem>>) semaphore(%arg9 : memref<!tpu.dma_semaphore, #tpu.memory_space<semaphore_mem>>) {add = true}
    %dma_start3A_16 = arith.constant 2 : i32
    %dma_start3A_17 = arith.constant 0 : i32
    %dma_start3A_18 = tpu.memref_slice %arg6[%dma_start3A_16, %dma_start3A_17] : memref<80x125xi32, #tpu.memory_space<vmem>> -> memref<1x125xi32, #tpu.memory_space<vmem>>
    %dma_start3A_19 = tpu.memref_squeeze %dma_start3A_18 : memref<1x125xi32, #tpu.memory_space<vmem>> -> memref<125xi32, #tpu.memory_space<vmem>>
    %dma_start3A_20 = arith.constant 0 : i32
    %dma_start3A_21 = arith.constant 0 : i32
    %dma_start3A_22 = tpu.memref_slice %arg8[%dma_start3A_20, %dma_start3A_21] : memref<10240x16xf32, #tpu.memory_space<vmem_shared>> -> memref<10240x16xf32, #tpu.memory_space<vmem_shared>>
    tpu.enqueue_indirect_dma source(%arg7 : memref<125x16xf32, #tpu.memory_space<vmem>>) target(%dma_start3A_22 : memref<10240x16xf32, #tpu.memory_space<vmem_shared>>) offsets(%dma_start3A_19 : memref<125xi32, #tpu.memory_space<vmem>>) semaphore(%arg9 : memref<!tpu.dma_semaphore, #tpu.memory_space<semaphore_mem>>) {add = true}
    %dma_start3A_23 = arith.constant 3 : i32
    %dma_start3A_24 = arith.constant 0 : i32
    %dma_start3A_25 = tpu.memref_slice %arg6[%dma_start3A_23, %dma_start3A_24] : memref<80x125xi32, #tpu.memory_space<vmem>> -> memref<1x125xi32, #tpu.memory_space<vmem>>
    %dma_start3A_26 = tpu.memref_squeeze %dma_start3A_25 : memref<1x125xi32, #tpu.memory_space<vmem>> -> memref<125xi32, #tpu.memory_space<vmem>>
    %dma_start3A_27 = arith.constant 0 : i32
    %dma_start3A_28 = arith.constant 0 : i32
    %dma_start3A_29 = tpu.memref_slice %arg8[%dma_start3A_27, %dma_start3A_28] : memref<10240x16xf32, #tpu.memory_space<vmem_shared>> -> memref<10240x16xf32, #tpu.memory_space<vmem_shared>>
    tpu.enqueue_indirect_dma source(%arg7 : memref<125x16xf32, #tpu.memory_space<vmem>>) target(%dma_start3A_29 : memref<10240x16xf32, #tpu.memory_space<vmem_shared>>) offsets(%dma_start3A_26 : memref<125xi32, #tpu.memory_space<vmem>>) semaphore(%arg9 : memref<!tpu.dma_semaphore, #tpu.memory_space<semaphore_mem>>) {add = true}
    %scan3A = arith.constant 0 : i32
    %scan3A_30 = arith.constant 4 : i32
    %scan3A_31 = arith.constant 76 : i32
    %scan3A_32 = arith.addi %scan3A_30, %scan3A_31 : i32
    %scan3A_33 = arith.constant 1 : i32
    scf.for %scan3A_67 = %scan3A_30 to %scan3A_32 step %scan3A_33  : i32 {
      %dma_start3A_68 = arith.constant 0 : i32
      %dma_start3A_69 = tpu.memref_slice %arg6[%scan3A_67, %dma_start3A_68] : memref<80x125xi32, #tpu.memory_space<vmem>> -> memref<1x125xi32, #tpu.memory_space<vmem>>
      %dma_start3A_70 = tpu.memref_squeeze %dma_start3A_69 : memref<1x125xi32, #tpu.memory_space<vmem>> -> memref<125xi32, #tpu.memory_space<vmem>>
      %dma_start3A_71 = arith.constant 0 : i32
      %dma_start3A_72 = arith.constant 0 : i32
      %dma_start3A_73 = tpu.memref_slice %arg8[%dma_start3A_71, %dma_start3A_72] : memref<10240x16xf32, #tpu.memory_space<vmem_shared>> -> memref<10240x16xf32, #tpu.memory_space<vmem_shared>>
      tpu.enqueue_indirect_dma source(%arg7 : memref<125x16xf32, #tpu.memory_space<vmem>>) target(%dma_start3A_73 : memref<10240x16xf32, #tpu.memory_space<vmem_shared>>) offsets(%dma_start3A_70 : memref<125xi32, #tpu.memory_space<vmem>>) semaphore(%arg9 : memref<!tpu.dma_semaphore, #tpu.memory_space<semaphore_mem>>) {add = true}
      %sub3A = arith.constant 4 : i32
      %sub3A_74 = arith.subi %scan3A_67, %sub3A : i32
      %dma_wait3A_75 = arith.constant 0 : i32
      %dma_wait3A_76 = tpu.memref_slice %arg6[%sub3A_74, %dma_wait3A_75] : memref<80x125xi32, #tpu.memory_space<vmem>> -> memref<1x125xi32, #tpu.memory_space<vmem>>
      %dma_wait3A_77 = tpu.memref_squeeze %dma_wait3A_76 : memref<1x125xi32, #tpu.memory_space<vmem>> -> memref<125xi32, #tpu.memory_space<vmem>>
      %dma_wait3A_78 = arith.constant 0 : i32
      %dma_wait3A_79 = arith.constant 0 : i32
      %dma_wait3A_80 = tpu.memref_slice %arg8[%dma_wait3A_78, %dma_wait3A_79] : memref<10240x16xf32, #tpu.memory_space<vmem_shared>> -> memref<10240x16xf32, #tpu.memory_space<vmem_shared>>
      tpu.wait_indirect_dma semaphore(%arg9 : memref<!tpu.dma_semaphore, #tpu.memory_space<semaphore_mem>>) src(%arg7 : memref<125x16xf32, #tpu.memory_space<vmem>>) dst(%dma_wait3A_80 : memref<10240x16xf32, #tpu.memory_space<vmem_shared>>)
    }
    %scan3A_34 = arith.constant 76 : i32
    %dma_wait3A = arith.constant 76 : i32
    %dma_wait3A_35 = arith.constant 0 : i32
    %dma_wait3A_36 = tpu.memref_slice %arg6[%dma_wait3A, %dma_wait3A_35] : memref<80x125xi32, #tpu.memory_space<vmem>> -> memref<1x125xi32, #tpu.memory_space<vmem>>
    %dma_wait3A_37 = tpu.memref_squeeze %dma_wait3A_36 : memref<1x125xi32, #tpu.memory_space<vmem>> -> memref<125xi32, #tpu.memory_space<vmem>>
    %dma_wait3A_38 = arith.constant 0 : i32
    %dma_wait3A_39 = arith.constant 0 : i32
    %dma_wait3A_40 = tpu.memref_slice %arg8[%dma_wait3A_38, %dma_wait3A_39] : memref<10240x16xf32, #tpu.memory_space<vmem_shared>> -> memref<10240x16xf32, #tpu.memory_space<vmem_shared>>
    tpu.wait_indirect_dma semaphore(%arg9 : memref<!tpu.dma_semaphore, #tpu.memory_space<semaphore_mem>>) src(%arg7 : memref<125x16xf32, #tpu.memory_space<vmem>>) dst(%dma_wait3A_40 : memref<10240x16xf32, #tpu.memory_space<vmem_shared>>)
    %dma_wait3A_41 = arith.constant 77 : i32
    %dma_wait3A_42 = arith.constant 0 : i32
    %dma_wait3A_43 = tpu.memref_slice %arg6[%dma_wait3A_41, %dma_wait3A_42] : memref<80x125xi32, #tpu.memory_space<vmem>> -> memref<1x125xi32, #tpu.memory_space<vmem>>
    %dma_wait3A_44 = tpu.memref_squeeze %dma_wait3A_43 : memref<1x125xi32, #tpu.memory_space<vmem>> -> memref<125xi32, #tpu.memory_space<vmem>>
    %dma_wait3A_45 = arith.constant 0 : i32
    %dma_wait3A_46 = arith.constant 0 : i32
    %dma_wait3A_47 = tpu.memref_slice %arg8[%dma_wait3A_45, %dma_wait3A_46] : memref<10240x16xf32, #tpu.memory_space<vmem_shared>> -> memref<10240x16xf32, #tpu.memory_space<vmem_shared>>
    tpu.wait_indirect_dma semaphore(%arg9 : memref<!tpu.dma_semaphore, #tpu.memory_space<semaphore_mem>>) src(%arg7 : memref<125x16xf32, #tpu.memory_space<vmem>>) dst(%dma_wait3A_47 : memref<10240x16xf32, #tpu.memory_space<vmem_shared>>)
    %dma_wait3A_48 = arith.constant 78 : i32
    %dma_wait3A_49 = arith.constant 0 : i32
    %dma_wait3A_50 = tpu.memref_slice %arg6[%dma_wait3A_48, %dma_wait3A_49] : memref<80x125xi32, #tpu.memory_space<vmem>> -> memref<1x125xi32, #tpu.memory_space<vmem>>
    %dma_wait3A_51 = tpu.memref_squeeze %dma_wait3A_50 : memref<1x125xi32, #tpu.memory_space<vmem>> -> memref<125xi32, #tpu.memory_space<vmem>>
    %dma_wait3A_52 = arith.constant 0 : i32
    %dma_wait3A_53 = arith.constant 0 : i32
    %dma_wait3A_54 = tpu.memref_slice %arg8[%dma_wait3A_52, %dma_wait3A_53] : memref<10240x16xf32, #tpu.memory_space<vmem_shared>> -> memref<10240x16xf32, #tpu.memory_space<vmem_shared>>
    tpu.wait_indirect_dma semaphore(%arg9 : memref<!tpu.dma_semaphore, #tpu.memory_space<semaphore_mem>>) src(%arg7 : memref<125x16xf32, #tpu.memory_space<vmem>>) dst(%dma_wait3A_54 : memref<10240x16xf32, #tpu.memory_space<vmem_shared>>)
    %dma_wait3A_55 = arith.constant 79 : i32
    %dma_wait3A_56 = arith.constant 0 : i32
    %dma_wait3A_57 = tpu.memref_slice %arg6[%dma_wait3A_55, %dma_wait3A_56] : memref<80x125xi32, #tpu.memory_space<vmem>> -> memref<1x125xi32, #tpu.memory_space<vmem>>
    %dma_wait3A_58 = tpu.memref_squeeze %dma_wait3A_57 : memref<1x125xi32, #tpu.memory_space<vmem>> -> memref<125xi32, #tpu.memory_space<vmem>>
    %dma_wait3A_59 = arith.constant 0 : i32
    %dma_wait3A_60 = arith.constant 0 : i32
    %dma_wait3A_61 = tpu.memref_slice %arg8[%dma_wait3A_59, %dma_wait3A_60] : memref<10240x16xf32, #tpu.memory_space<vmem_shared>> -> memref<10240x16xf32, #tpu.memory_space<vmem_shared>>
    tpu.wait_indirect_dma semaphore(%arg9 : memref<!tpu.dma_semaphore, #tpu.memory_space<semaphore_mem>>) src(%arg7 : memref<125x16xf32, #tpu.memory_space<vmem>>) dst(%dma_wait3A_61 : memref<10240x16xf32, #tpu.memory_space<vmem_shared>>)
    %barrier3A_62 = arith.constant 0 : index
    tpu.barrier barrier_id(%barrier3A_62)
    %mul3A_63 = arith.constant 640 : i32
    %mul3A_64 = arith.muli %arg1, %mul3A_63 : i32
    %mul3A_65 = arith.constant 640 : i32
    %mul3A_66 = arith.muli %arg1, %mul3A_65 : i32
    "tpu.region"() ({
      %run_scoped3A_67 = tpu.sem_alloc : memref<!tpu.dma_semaphore, #tpu.memory_space<semaphore_mem>>
      %dma_start3A_68 = arith.constant 0 : i32
      %dma_start3A_69 = tpu.memref_slice %arg5[%arg0, %mul3A_66, %dma_start3A_68] : memref<2x10240x16xf32, #tpu.memory_space<hbm>> -> memref<1x640x16xf32, #tpu.memory_space<hbm>>
      %dma_start3A_70 = tpu.memref_squeeze %dma_start3A_69 : memref<1x640x16xf32, #tpu.memory_space<hbm>> -> memref<640x16xf32, #tpu.memory_space<hbm>>
      %dma_start3A_71 = arith.constant 0 : i32
      %dma_start3A_72 = tpu.memref_slice %arg8[%mul3A_64, %dma_start3A_71] : memref<10240x16xf32, #tpu.memory_space<vmem_shared>> -> memref<640x16xf32, #tpu.memory_space<vmem_shared>>
      tpu.enqueue_dma source(%dma_start3A_72 : memref<640x16xf32, #tpu.memory_space<vmem_shared>>) target(%dma_start3A_70 : memref<640x16xf32, #tpu.memory_space<hbm>>) target_semaphore(%run_scoped3A_67 : memref<!tpu.dma_semaphore, #tpu.memory_space<semaphore_mem>>)
      %dma_wait3A_73 = arith.constant 0 : i32
      %dma_wait3A_74 = tpu.memref_slice %arg5[%arg0, %mul3A_66, %dma_wait3A_73] : memref<2x10240x16xf32, #tpu.memory_space<hbm>> -> memref<1x640x16xf32, #tpu.memory_space<hbm>>
      %dma_wait3A_75 = tpu.memref_squeeze %dma_wait3A_74 : memref<1x640x16xf32, #tpu.memory_space<hbm>> -> memref<640x16xf32, #tpu.memory_space<hbm>>
      %dma_wait3A_76 = arith.constant 0 : i32
      %dma_wait3A_77 = tpu.memref_slice %arg8[%mul3A_64, %dma_wait3A_76] : memref<10240x16xf32, #tpu.memory_space<vmem_shared>> -> memref<640x16xf32, #tpu.memory_space<vmem_shared>>
      tpu.wait_dma2 semaphore(%run_scoped3A_67 : memref<!tpu.dma_semaphore, #tpu.memory_space<semaphore_mem>>) src(%dma_wait3A_77 : memref<640x16xf32, #tpu.memory_space<vmem_shared>>) dst(%dma_wait3A_75 : memref<640x16xf32, #tpu.memory_space<hbm>>)
      tpu.yield
    }) : () -> ()
    return
  }
}

#map = affine_map<(d0, d1) -> (0, 0, 0, 0)>
#map1 = affine_map<(d0, d1) -> (0, 0)>
#map2 = affine_map<(d0, d1) -> (0, 0, 0)>
module attributes {stable_mosaic.version = 14 : i64} {
  func.func @deg_hist_1(%arg0: i32, %arg1: i32, %arg2: memref<2x32x80x125xi32, #tpu.memory_space<hbm>>, %arg3: memref<125x16xf32, #tpu.memory_space<hbm>>, %arg4: memref<640x16xf32, #tpu.memory_space<hbm>>, %arg5: memref<2x10240x16xf32, #tpu.memory_space<hbm>>, %arg6: memref<80x125xi32, #tpu.memory_space<vmem>>, %arg7: memref<125x16xf32, #tpu.memory_space<vmem>>, %arg8: memref<10240x16xf32, #tpu.memory_space<vmem_shared>>, %arg9: memref<!tpu.dma_semaphore, #tpu.memory_space<semaphore_mem>>) attributes {dimension_semantics = [#tpu.dimension_semantics<core_parallel>, #tpu.dimension_semantics<subcore_parallel>], iteration_bounds = array<i64: 2, 16>, scalar_prefetch = 0 : i64, scratch_operands = 4 : i64, tpu.core_type = #tpu.core_type<sc_vector_subcore>, window_params = [{transform_indices = #map}, {transform_indices = #map1}, {transform_indices = #map1}, {transform_indices = #map2}]} {
    %mul3A = arith.constant 16 : i32
    %mul3A_0 = arith.muli %arg0, %mul3A : i32
    %add3A = arith.addi %mul3A_0, %arg1 : i32
    %mul3A_1 = arith.constant 640 : i32
    %mul3A_2 = arith.muli %arg1, %mul3A_1 : i32
    "tpu.region"() ({
      %run_scoped3A_67 = tpu.sem_alloc : memref<!tpu.dma_semaphore, #tpu.memory_space<semaphore_mem>>
      %dma_start3A_68 = arith.constant 0 : i32
      %dma_start3A_69 = tpu.memref_slice %arg8[%mul3A_2, %dma_start3A_68] : memref<10240x16xf32, #tpu.memory_space<vmem_shared>> -> memref<640x16xf32, #tpu.memory_space<vmem_shared>>
      tpu.enqueue_dma source(%arg4 : memref<640x16xf32, #tpu.memory_space<hbm>>) target(%dma_start3A_69 : memref<640x16xf32, #tpu.memory_space<vmem_shared>>) target_semaphore(%run_scoped3A_67 : memref<!tpu.dma_semaphore, #tpu.memory_space<semaphore_mem>>)
      %dma_wait3A_70 = arith.constant 0 : i32
      %dma_wait3A_71 = tpu.memref_slice %arg8[%mul3A_2, %dma_wait3A_70] : memref<10240x16xf32, #tpu.memory_space<vmem_shared>> -> memref<640x16xf32, #tpu.memory_space<vmem_shared>>
      tpu.wait_dma2 semaphore(%run_scoped3A_67 : memref<!tpu.dma_semaphore, #tpu.memory_space<semaphore_mem>>) src(%arg4 : memref<640x16xf32, #tpu.memory_space<hbm>>) dst(%dma_wait3A_71 : memref<640x16xf32, #tpu.memory_space<vmem_shared>>)
      tpu.yield
    }) : () -> ()
    "tpu.region"() ({
      %run_scoped3A_67 = tpu.sem_alloc : memref<!tpu.dma_semaphore, #tpu.memory_space<semaphore_mem>>
      tpu.enqueue_dma source(%arg3 : memref<125x16xf32, #tpu.memory_space<hbm>>) target(%arg7 : memref<125x16xf32, #tpu.memory_space<vmem>>) target_semaphore(%run_scoped3A_67 : memref<!tpu.dma_semaphore, #tpu.memory_space<semaphore_mem>>)
      tpu.wait_dma2 semaphore(%run_scoped3A_67 : memref<!tpu.dma_semaphore, #tpu.memory_space<semaphore_mem>>) src(%arg3 : memref<125x16xf32, #tpu.memory_space<hbm>>) dst(%arg7 : memref<125x16xf32, #tpu.memory_space<vmem>>)
      tpu.yield
    }) : () -> ()
    %run_scoped3A = arith.constant 1 : i32
    "tpu.region"() ({
      %run_scoped3A_67 = tpu.sem_alloc : memref<!tpu.dma_semaphore, #tpu.memory_space<semaphore_mem>>
      %dma_start3A_68 = arith.constant 0 : i32
      %dma_start3A_69 = arith.constant 0 : i32
      %dma_start3A_70 = tpu.memref_slice %arg2[%run_scoped3A, %add3A, %dma_start3A_68, %dma_start3A_69] : memref<2x32x80x125xi32, #tpu.memory_space<hbm>> -> memref<1x1x80x125xi32, #tpu.memory_space<hbm>>
      %dma_start3A_71 = tpu.memref_squeeze %dma_start3A_70 : memref<1x1x80x125xi32, #tpu.memory_space<hbm>> -> memref<80x125xi32, #tpu.memory_space<hbm>>
      %dma_start3A_72 = arith.constant 0 : i32
      %dma_start3A_73 = arith.constant 0 : i32
      %dma_start3A_74 = tpu.memref_slice %arg2[%run_scoped3A, %add3A, %dma_start3A_72, %dma_start3A_73] : memref<2x32x80x125xi32, #tpu.memory_space<hbm>> -> memref<1x1x80x125xi32, #tpu.memory_space<hbm>>
      %dma_start3A_75 = tpu.memref_squeeze %dma_start3A_74 : memref<1x1x80x125xi32, #tpu.memory_space<hbm>> -> memref<80x125xi32, #tpu.memory_space<hbm>>
      tpu.enqueue_dma source(%dma_start3A_75 : memref<80x125xi32, #tpu.memory_space<hbm>>) target(%arg6 : memref<80x125xi32, #tpu.memory_space<vmem>>) target_semaphore(%run_scoped3A_67 : memref<!tpu.dma_semaphore, #tpu.memory_space<semaphore_mem>>)
      %dma_wait3A_76 = arith.constant 0 : i32
      %dma_wait3A_77 = arith.constant 0 : i32
      %dma_wait3A_78 = tpu.memref_slice %arg2[%run_scoped3A, %add3A, %dma_wait3A_76, %dma_wait3A_77] : memref<2x32x80x125xi32, #tpu.memory_space<hbm>> -> memref<1x1x80x125xi32, #tpu.memory_space<hbm>>
      %dma_wait3A_79 = tpu.memref_squeeze %dma_wait3A_78 : memref<1x1x80x125xi32, #tpu.memory_space<hbm>> -> memref<80x125xi32, #tpu.memory_space<hbm>>
      %dma_wait3A_80 = arith.constant 0 : i32
      %dma_wait3A_81 = arith.constant 0 : i32
      %dma_wait3A_82 = tpu.memref_slice %arg2[%run_scoped3A, %add3A, %dma_wait3A_80, %dma_wait3A_81] : memref<2x32x80x125xi32, #tpu.memory_space<hbm>> -> memref<1x1x80x125xi32, #tpu.memory_space<hbm>>
      %dma_wait3A_83 = tpu.memref_squeeze %dma_wait3A_82 : memref<1x1x80x125xi32, #tpu.memory_space<hbm>> -> memref<80x125xi32, #tpu.memory_space<hbm>>
      tpu.wait_dma2 semaphore(%run_scoped3A_67 : memref<!tpu.dma_semaphore, #tpu.memory_space<semaphore_mem>>) src(%dma_wait3A_83 : memref<80x125xi32, #tpu.memory_space<hbm>>) dst(%arg6 : memref<80x125xi32, #tpu.memory_space<vmem>>)
      tpu.yield
    }) : () -> ()
    %barrier3A = arith.constant 0 : index
    tpu.barrier barrier_id(%barrier3A)
    %dma_start3A = arith.constant 0 : i32
    %dma_start3A_3 = arith.constant 0 : i32
    %dma_start3A_4 = tpu.memref_slice %arg6[%dma_start3A, %dma_start3A_3] : memref<80x125xi32, #tpu.memory_space<vmem>> -> memref<1x125xi32, #tpu.memory_space<vmem>>
    %dma_start3A_5 = tpu.memref_squeeze %dma_start3A_4 : memref<1x125xi32, #tpu.memory_space<vmem>> -> memref<125xi32, #tpu.memory_space<vmem>>
    %dma_start3A_6 = arith.constant 0 : i32
    %dma_start3A_7 = arith.constant 0 : i32
    %dma_start3A_8 = tpu.memref_slice %arg8[%dma_start3A_6, %dma_start3A_7] : memref<10240x16xf32, #tpu.memory_space<vmem_shared>> -> memref<10240x16xf32, #tpu.memory_space<vmem_shared>>
    tpu.enqueue_indirect_dma source(%arg7 : memref<125x16xf32, #tpu.memory_space<vmem>>) target(%dma_start3A_8 : memref<10240x16xf32, #tpu.memory_space<vmem_shared>>) offsets(%dma_start3A_5 : memref<125xi32, #tpu.memory_space<vmem>>) semaphore(%arg9 : memref<!tpu.dma_semaphore, #tpu.memory_space<semaphore_mem>>) {add = true}
    %dma_start3A_9 = arith.constant 1 : i32
    %dma_start3A_10 = arith.constant 0 : i32
    %dma_start3A_11 = tpu.memref_slice %arg6[%dma_start3A_9, %dma_start3A_10] : memref<80x125xi32, #tpu.memory_space<vmem>> -> memref<1x125xi32, #tpu.memory_space<vmem>>
    %dma_start3A_12 = tpu.memref_squeeze %dma_start3A_11 : memref<1x125xi32, #tpu.memory_space<vmem>> -> memref<125xi32, #tpu.memory_space<vmem>>
    %dma_start3A_13 = arith.constant 0 : i32
    %dma_start3A_14 = arith.constant 0 : i32
    %dma_start3A_15 = tpu.memref_slice %arg8[%dma_start3A_13, %dma_start3A_14] : memref<10240x16xf32, #tpu.memory_space<vmem_shared>> -> memref<10240x16xf32, #tpu.memory_space<vmem_shared>>
    tpu.enqueue_indirect_dma source(%arg7 : memref<125x16xf32, #tpu.memory_space<vmem>>) target(%dma_start3A_15 : memref<10240x16xf32, #tpu.memory_space<vmem_shared>>) offsets(%dma_start3A_12 : memref<125xi32, #tpu.memory_space<vmem>>) semaphore(%arg9 : memref<!tpu.dma_semaphore, #tpu.memory_space<semaphore_mem>>) {add = true}
    %dma_start3A_16 = arith.constant 2 : i32
    %dma_start3A_17 = arith.constant 0 : i32
    %dma_start3A_18 = tpu.memref_slice %arg6[%dma_start3A_16, %dma_start3A_17] : memref<80x125xi32, #tpu.memory_space<vmem>> -> memref<1x125xi32, #tpu.memory_space<vmem>>
    %dma_start3A_19 = tpu.memref_squeeze %dma_start3A_18 : memref<1x125xi32, #tpu.memory_space<vmem>> -> memref<125xi32, #tpu.memory_space<vmem>>
    %dma_start3A_20 = arith.constant 0 : i32
    %dma_start3A_21 = arith.constant 0 : i32
    %dma_start3A_22 = tpu.memref_slice %arg8[%dma_start3A_20, %dma_start3A_21] : memref<10240x16xf32, #tpu.memory_space<vmem_shared>> -> memref<10240x16xf32, #tpu.memory_space<vmem_shared>>
    tpu.enqueue_indirect_dma source(%arg7 : memref<125x16xf32, #tpu.memory_space<vmem>>) target(%dma_start3A_22 : memref<10240x16xf32, #tpu.memory_space<vmem_shared>>) offsets(%dma_start3A_19 : memref<125xi32, #tpu.memory_space<vmem>>) semaphore(%arg9 : memref<!tpu.dma_semaphore, #tpu.memory_space<semaphore_mem>>) {add = true}
    %dma_start3A_23 = arith.constant 3 : i32
    %dma_start3A_24 = arith.constant 0 : i32
    %dma_start3A_25 = tpu.memref_slice %arg6[%dma_start3A_23, %dma_start3A_24] : memref<80x125xi32, #tpu.memory_space<vmem>> -> memref<1x125xi32, #tpu.memory_space<vmem>>
    %dma_start3A_26 = tpu.memref_squeeze %dma_start3A_25 : memref<1x125xi32, #tpu.memory_space<vmem>> -> memref<125xi32, #tpu.memory_space<vmem>>
    %dma_start3A_27 = arith.constant 0 : i32
    %dma_start3A_28 = arith.constant 0 : i32
    %dma_start3A_29 = tpu.memref_slice %arg8[%dma_start3A_27, %dma_start3A_28] : memref<10240x16xf32, #tpu.memory_space<vmem_shared>> -> memref<10240x16xf32, #tpu.memory_space<vmem_shared>>
    tpu.enqueue_indirect_dma source(%arg7 : memref<125x16xf32, #tpu.memory_space<vmem>>) target(%dma_start3A_29 : memref<10240x16xf32, #tpu.memory_space<vmem_shared>>) offsets(%dma_start3A_26 : memref<125xi32, #tpu.memory_space<vmem>>) semaphore(%arg9 : memref<!tpu.dma_semaphore, #tpu.memory_space<semaphore_mem>>) {add = true}
    %scan3A = arith.constant 0 : i32
    %scan3A_30 = arith.constant 4 : i32
    %scan3A_31 = arith.constant 76 : i32
    %scan3A_32 = arith.addi %scan3A_30, %scan3A_31 : i32
    %scan3A_33 = arith.constant 1 : i32
    scf.for %scan3A_67 = %scan3A_30 to %scan3A_32 step %scan3A_33  : i32 {
      %dma_start3A_68 = arith.constant 0 : i32
      %dma_start3A_69 = tpu.memref_slice %arg6[%scan3A_67, %dma_start3A_68] : memref<80x125xi32, #tpu.memory_space<vmem>> -> memref<1x125xi32, #tpu.memory_space<vmem>>
      %dma_start3A_70 = tpu.memref_squeeze %dma_start3A_69 : memref<1x125xi32, #tpu.memory_space<vmem>> -> memref<125xi32, #tpu.memory_space<vmem>>
      %dma_start3A_71 = arith.constant 0 : i32
      %dma_start3A_72 = arith.constant 0 : i32
      %dma_start3A_73 = tpu.memref_slice %arg8[%dma_start3A_71, %dma_start3A_72] : memref<10240x16xf32, #tpu.memory_space<vmem_shared>> -> memref<10240x16xf32, #tpu.memory_space<vmem_shared>>
      tpu.enqueue_indirect_dma source(%arg7 : memref<125x16xf32, #tpu.memory_space<vmem>>) target(%dma_start3A_73 : memref<10240x16xf32, #tpu.memory_space<vmem_shared>>) offsets(%dma_start3A_70 : memref<125xi32, #tpu.memory_space<vmem>>) semaphore(%arg9 : memref<!tpu.dma_semaphore, #tpu.memory_space<semaphore_mem>>) {add = true}
      %sub3A = arith.constant 4 : i32
      %sub3A_74 = arith.subi %scan3A_67, %sub3A : i32
      %dma_wait3A_75 = arith.constant 0 : i32
      %dma_wait3A_76 = tpu.memref_slice %arg6[%sub3A_74, %dma_wait3A_75] : memref<80x125xi32, #tpu.memory_space<vmem>> -> memref<1x125xi32, #tpu.memory_space<vmem>>
      %dma_wait3A_77 = tpu.memref_squeeze %dma_wait3A_76 : memref<1x125xi32, #tpu.memory_space<vmem>> -> memref<125xi32, #tpu.memory_space<vmem>>
      %dma_wait3A_78 = arith.constant 0 : i32
      %dma_wait3A_79 = arith.constant 0 : i32
      %dma_wait3A_80 = tpu.memref_slice %arg8[%dma_wait3A_78, %dma_wait3A_79] : memref<10240x16xf32, #tpu.memory_space<vmem_shared>> -> memref<10240x16xf32, #tpu.memory_space<vmem_shared>>
      tpu.wait_indirect_dma semaphore(%arg9 : memref<!tpu.dma_semaphore, #tpu.memory_space<semaphore_mem>>) src(%arg7 : memref<125x16xf32, #tpu.memory_space<vmem>>) dst(%dma_wait3A_80 : memref<10240x16xf32, #tpu.memory_space<vmem_shared>>)
    }
    %scan3A_34 = arith.constant 76 : i32
    %dma_wait3A = arith.constant 76 : i32
    %dma_wait3A_35 = arith.constant 0 : i32
    %dma_wait3A_36 = tpu.memref_slice %arg6[%dma_wait3A, %dma_wait3A_35] : memref<80x125xi32, #tpu.memory_space<vmem>> -> memref<1x125xi32, #tpu.memory_space<vmem>>
    %dma_wait3A_37 = tpu.memref_squeeze %dma_wait3A_36 : memref<1x125xi32, #tpu.memory_space<vmem>> -> memref<125xi32, #tpu.memory_space<vmem>>
    %dma_wait3A_38 = arith.constant 0 : i32
    %dma_wait3A_39 = arith.constant 0 : i32
    %dma_wait3A_40 = tpu.memref_slice %arg8[%dma_wait3A_38, %dma_wait3A_39] : memref<10240x16xf32, #tpu.memory_space<vmem_shared>> -> memref<10240x16xf32, #tpu.memory_space<vmem_shared>>
    tpu.wait_indirect_dma semaphore(%arg9 : memref<!tpu.dma_semaphore, #tpu.memory_space<semaphore_mem>>) src(%arg7 : memref<125x16xf32, #tpu.memory_space<vmem>>) dst(%dma_wait3A_40 : memref<10240x16xf32, #tpu.memory_space<vmem_shared>>)
    %dma_wait3A_41 = arith.constant 77 : i32
    %dma_wait3A_42 = arith.constant 0 : i32
    %dma_wait3A_43 = tpu.memref_slice %arg6[%dma_wait3A_41, %dma_wait3A_42] : memref<80x125xi32, #tpu.memory_space<vmem>> -> memref<1x125xi32, #tpu.memory_space<vmem>>
    %dma_wait3A_44 = tpu.memref_squeeze %dma_wait3A_43 : memref<1x125xi32, #tpu.memory_space<vmem>> -> memref<125xi32, #tpu.memory_space<vmem>>
    %dma_wait3A_45 = arith.constant 0 : i32
    %dma_wait3A_46 = arith.constant 0 : i32
    %dma_wait3A_47 = tpu.memref_slice %arg8[%dma_wait3A_45, %dma_wait3A_46] : memref<10240x16xf32, #tpu.memory_space<vmem_shared>> -> memref<10240x16xf32, #tpu.memory_space<vmem_shared>>
    tpu.wait_indirect_dma semaphore(%arg9 : memref<!tpu.dma_semaphore, #tpu.memory_space<semaphore_mem>>) src(%arg7 : memref<125x16xf32, #tpu.memory_space<vmem>>) dst(%dma_wait3A_47 : memref<10240x16xf32, #tpu.memory_space<vmem_shared>>)
    %dma_wait3A_48 = arith.constant 78 : i32
    %dma_wait3A_49 = arith.constant 0 : i32
    %dma_wait3A_50 = tpu.memref_slice %arg6[%dma_wait3A_48, %dma_wait3A_49] : memref<80x125xi32, #tpu.memory_space<vmem>> -> memref<1x125xi32, #tpu.memory_space<vmem>>
    %dma_wait3A_51 = tpu.memref_squeeze %dma_wait3A_50 : memref<1x125xi32, #tpu.memory_space<vmem>> -> memref<125xi32, #tpu.memory_space<vmem>>
    %dma_wait3A_52 = arith.constant 0 : i32
    %dma_wait3A_53 = arith.constant 0 : i32
    %dma_wait3A_54 = tpu.memref_slice %arg8[%dma_wait3A_52, %dma_wait3A_53] : memref<10240x16xf32, #tpu.memory_space<vmem_shared>> -> memref<10240x16xf32, #tpu.memory_space<vmem_shared>>
    tpu.wait_indirect_dma semaphore(%arg9 : memref<!tpu.dma_semaphore, #tpu.memory_space<semaphore_mem>>) src(%arg7 : memref<125x16xf32, #tpu.memory_space<vmem>>) dst(%dma_wait3A_54 : memref<10240x16xf32, #tpu.memory_space<vmem_shared>>)
    %dma_wait3A_55 = arith.constant 79 : i32
    %dma_wait3A_56 = arith.constant 0 : i32
    %dma_wait3A_57 = tpu.memref_slice %arg6[%dma_wait3A_55, %dma_wait3A_56] : memref<80x125xi32, #tpu.memory_space<vmem>> -> memref<1x125xi32, #tpu.memory_space<vmem>>
    %dma_wait3A_58 = tpu.memref_squeeze %dma_wait3A_57 : memref<1x125xi32, #tpu.memory_space<vmem>> -> memref<125xi32, #tpu.memory_space<vmem>>
    %dma_wait3A_59 = arith.constant 0 : i32
    %dma_wait3A_60 = arith.constant 0 : i32
    %dma_wait3A_61 = tpu.memref_slice %arg8[%dma_wait3A_59, %dma_wait3A_60] : memref<10240x16xf32, #tpu.memory_space<vmem_shared>> -> memref<10240x16xf32, #tpu.memory_space<vmem_shared>>
    tpu.wait_indirect_dma semaphore(%arg9 : memref<!tpu.dma_semaphore, #tpu.memory_space<semaphore_mem>>) src(%arg7 : memref<125x16xf32, #tpu.memory_space<vmem>>) dst(%dma_wait3A_61 : memref<10240x16xf32, #tpu.memory_space<vmem_shared>>)
    %barrier3A_62 = arith.constant 0 : index
    tpu.barrier barrier_id(%barrier3A_62)
    %mul3A_63 = arith.constant 640 : i32
    %mul3A_64 = arith.muli %arg1, %mul3A_63 : i32
    %mul3A_65 = arith.constant 640 : i32
    %mul3A_66 = arith.muli %arg1, %mul3A_65 : i32
    "tpu.region"() ({
      %run_scoped3A_67 = tpu.sem_alloc : memref<!tpu.dma_semaphore, #tpu.memory_space<semaphore_mem>>
      %dma_start3A_68 = arith.constant 0 : i32
      %dma_start3A_69 = tpu.memref_slice %arg5[%arg0, %mul3A_66, %dma_start3A_68] : memref<2x10240x16xf32, #tpu.memory_space<hbm>> -> memref<1x640x16xf32, #tpu.memory_space<hbm>>
      %dma_start3A_70 = tpu.memref_squeeze %dma_start3A_69 : memref<1x640x16xf32, #tpu.memory_space<hbm>> -> memref<640x16xf32, #tpu.memory_space<hbm>>
      %dma_start3A_71 = arith.constant 0 : i32
      %dma_start3A_72 = tpu.memref_slice %arg8[%mul3A_64, %dma_start3A_71] : memref<10240x16xf32, #tpu.memory_space<vmem_shared>> -> memref<640x16xf32, #tpu.memory_space<vmem_shared>>
      tpu.enqueue_dma source(%dma_start3A_72 : memref<640x16xf32, #tpu.memory_space<vmem_shared>>) target(%dma_start3A_70 : memref<640x16xf32, #tpu.memory_space<hbm>>) target_semaphore(%run_scoped3A_67 : memref<!tpu.dma_semaphore, #tpu.memory_space<semaphore_mem>>)
      %dma_wait3A_73 = arith.constant 0 : i32
      %dma_wait3A_74 = tpu.memref_slice %arg5[%arg0, %mul3A_66, %dma_wait3A_73] : memref<2x10240x16xf32, #tpu.memory_space<hbm>> -> memref<1x640x16xf32, #tpu.memory_space<hbm>>
      %dma_wait3A_75 = tpu.memref_squeeze %dma_wait3A_74 : memref<1x640x16xf32, #tpu.memory_space<hbm>> -> memref<640x16xf32, #tpu.memory_space<hbm>>
      %dma_wait3A_76 = arith.constant 0 : i32
      %dma_wait3A_77 = tpu.memref_slice %arg8[%mul3A_64, %dma_wait3A_76] : memref<10240x16xf32, #tpu.memory_space<vmem_shared>> -> memref<640x16xf32, #tpu.memory_space<vmem_shared>>
      tpu.wait_dma2 semaphore(%run_scoped3A_67 : memref<!tpu.dma_semaphore, #tpu.memory_space<semaphore_mem>>) src(%dma_wait3A_77 : memref<640x16xf32, #tpu.memory_space<vmem_shared>>) dst(%dma_wait3A_75 : memref<640x16xf32, #tpu.memory_space<hbm>>)
      tpu.yield
    }) : () -> ()
    return
  }
}

#map = affine_map<(d0, d1) -> (0, 0, 0)>
#map1 = affine_map<(d0, d1) -> (0, 0, 0, 0)>
#map2 = affine_map<(d0, d1) -> (0, 0)>
module attributes {stable_mosaic.version = 14 : i64} {
  func.func @_agg_kernel(%arg0: i32, %arg1: i32, %arg2: memref<2x10000x64xf32, #tpu.memory_space<hbm>>, %arg3: memref<2x16x160x125xi32, #tpu.memory_space<hbm>>, %arg4: memref<640x64xf32, #tpu.memory_space<hbm>>, %arg5: memref<2x10240x64xf32, #tpu.memory_space<hbm>>, %arg6: memref<160x125xi32, #tpu.memory_space<vmem>>, %arg7: memref<160x125xi32, #tpu.memory_space<vmem>>, %arg8: memref<4x125x64xf32, #tpu.memory_space<vmem>>, %arg9: memref<10240x64xf32, #tpu.memory_space<vmem_shared>>, %arg10: memref<!tpu.dma_semaphore, #tpu.memory_space<semaphore_mem>>, %arg11: memref<!tpu.dma_semaphore, #tpu.memory_space<semaphore_mem>>, %arg12: memref<!tpu.dma_semaphore, #tpu.memory_space<semaphore_mem>>, %arg13: memref<!tpu.dma_semaphore, #tpu.memory_space<semaphore_mem>>, %arg14: memref<!tpu.dma_semaphore, #tpu.memory_space<semaphore_mem>>, %arg15: memref<!tpu.dma_semaphore, #tpu.memory_space<semaphore_mem>>, %arg16: memref<!tpu.dma_semaphore, #tpu.memory_space<semaphore_mem>>, %arg17: memref<!tpu.dma_semaphore, #tpu.memory_space<semaphore_mem>>) attributes {dimension_semantics = [#tpu.dimension_semantics<core_parallel>, #tpu.dimension_semantics<subcore_parallel>], iteration_bounds = array<i64: 2, 16>, scalar_prefetch = 0 : i64, scratch_operands = 12 : i64, tpu.core_type = #tpu.core_type<sc_vector_subcore>, window_params = [{transform_indices = #map}, {transform_indices = #map1}, {transform_indices = #map2}, {transform_indices = #map}]} {
    %mul3A = arith.constant 640 : i32
    %mul3A_0 = arith.muli %arg1, %mul3A : i32
    "tpu.region"() ({
      %run_scoped3A_234 = tpu.sem_alloc : memref<!tpu.dma_semaphore, #tpu.memory_space<semaphore_mem>>
      %dma_start3A_235 = arith.constant 0 : i32
      %dma_start3A_236 = tpu.memref_slice %arg9[%mul3A_0, %dma_start3A_235] : memref<10240x64xf32, #tpu.memory_space<vmem_shared>> -> memref<640x64xf32, #tpu.memory_space<vmem_shared>>
      tpu.enqueue_dma source(%arg4 : memref<640x64xf32, #tpu.memory_space<hbm>>) target(%dma_start3A_236 : memref<640x64xf32, #tpu.memory_space<vmem_shared>>) target_semaphore(%run_scoped3A_234 : memref<!tpu.dma_semaphore, #tpu.memory_space<semaphore_mem>>)
      %dma_wait3A_237 = arith.constant 0 : i32
      %dma_wait3A_238 = tpu.memref_slice %arg9[%mul3A_0, %dma_wait3A_237] : memref<10240x64xf32, #tpu.memory_space<vmem_shared>> -> memref<640x64xf32, #tpu.memory_space<vmem_shared>>
      tpu.wait_dma2 semaphore(%run_scoped3A_234 : memref<!tpu.dma_semaphore, #tpu.memory_space<semaphore_mem>>) src(%arg4 : memref<640x64xf32, #tpu.memory_space<hbm>>) dst(%dma_wait3A_238 : memref<640x64xf32, #tpu.memory_space<vmem_shared>>)
      tpu.yield
    }) : () -> ()
    %run_scoped3A = arith.constant 0 : i32
    "tpu.region"() ({
      %run_scoped3A_234 = tpu.sem_alloc : memref<!tpu.dma_semaphore, #tpu.memory_space<semaphore_mem>>
      %dma_start3A_235 = arith.constant 0 : i32
      %dma_start3A_236 = arith.constant 0 : i32
      %dma_start3A_237 = tpu.memref_slice %arg3[%run_scoped3A, %arg1, %dma_start3A_235, %dma_start3A_236] : memref<2x16x160x125xi32, #tpu.memory_space<hbm>> -> memref<1x1x160x125xi32, #tpu.memory_space<hbm>>
      %dma_start3A_238 = tpu.memref_squeeze %dma_start3A_237 : memref<1x1x160x125xi32, #tpu.memory_space<hbm>> -> memref<160x125xi32, #tpu.memory_space<hbm>>
      %dma_start3A_239 = arith.constant 0 : i32
      %dma_start3A_240 = arith.constant 0 : i32
      %dma_start3A_241 = tpu.memref_slice %arg3[%run_scoped3A, %arg1, %dma_start3A_239, %dma_start3A_240] : memref<2x16x160x125xi32, #tpu.memory_space<hbm>> -> memref<1x1x160x125xi32, #tpu.memory_space<hbm>>
      %dma_start3A_242 = tpu.memref_squeeze %dma_start3A_241 : memref<1x1x160x125xi32, #tpu.memory_space<hbm>> -> memref<160x125xi32, #tpu.memory_space<hbm>>
      tpu.enqueue_dma source(%dma_start3A_242 : memref<160x125xi32, #tpu.memory_space<hbm>>) target(%arg6 : memref<160x125xi32, #tpu.memory_space<vmem>>) target_semaphore(%run_scoped3A_234 : memref<!tpu.dma_semaphore, #tpu.memory_space<semaphore_mem>>)
      %dma_wait3A_243 = arith.constant 0 : i32
      %dma_wait3A_244 = arith.constant 0 : i32
      %dma_wait3A_245 = tpu.memref_slice %arg3[%run_scoped3A, %arg1, %dma_wait3A_243, %dma_wait3A_244] : memref<2x16x160x125xi32, #tpu.memory_space<hbm>> -> memref<1x1x160x125xi32, #tpu.memory_space<hbm>>
      %dma_wait3A_246 = tpu.memref_squeeze %dma_wait3A_245 : memref<1x1x160x125xi32, #tpu.memory_space<hbm>> -> memref<160x125xi32, #tpu.memory_space<hbm>>
      %dma_wait3A_247 = arith.constant 0 : i32
      %dma_wait3A_248 = arith.constant 0 : i32
      %dma_wait3A_249 = tpu.memref_slice %arg3[%run_scoped3A, %arg1, %dma_wait3A_247, %dma_wait3A_248] : memref<2x16x160x125xi32, #tpu.memory_space<hbm>> -> memref<1x1x160x125xi32, #tpu.memory_space<hbm>>
      %dma_wait3A_250 = tpu.memref_squeeze %dma_wait3A_249 : memref<1x1x160x125xi32, #tpu.memory_space<hbm>> -> memref<160x125xi32, #tpu.memory_space<hbm>>
      tpu.wait_dma2 semaphore(%run_scoped3A_234 : memref<!tpu.dma_semaphore, #tpu.memory_space<semaphore_mem>>) src(%dma_wait3A_250 : memref<160x125xi32, #tpu.memory_space<hbm>>) dst(%arg6 : memref<160x125xi32, #tpu.memory_space<vmem>>)
      tpu.yield
    }) : () -> ()
    %run_scoped3A_1 = arith.constant 1 : i32
    "tpu.region"() ({
      %run_scoped3A_234 = tpu.sem_alloc : memref<!tpu.dma_semaphore, #tpu.memory_space<semaphore_mem>>
      %dma_start3A_235 = arith.constant 0 : i32
      %dma_start3A_236 = arith.constant 0 : i32
      %dma_start3A_237 = tpu.memref_slice %arg3[%run_scoped3A_1, %arg1, %dma_start3A_235, %dma_start3A_236] : memref<2x16x160x125xi32, #tpu.memory_space<hbm>> -> memref<1x1x160x125xi32, #tpu.memory_space<hbm>>
      %dma_start3A_238 = tpu.memref_squeeze %dma_start3A_237 : memref<1x1x160x125xi32, #tpu.memory_space<hbm>> -> memref<160x125xi32, #tpu.memory_space<hbm>>
      %dma_start3A_239 = arith.constant 0 : i32
      %dma_start3A_240 = arith.constant 0 : i32
      %dma_start3A_241 = tpu.memref_slice %arg3[%run_scoped3A_1, %arg1, %dma_start3A_239, %dma_start3A_240] : memref<2x16x160x125xi32, #tpu.memory_space<hbm>> -> memref<1x1x160x125xi32, #tpu.memory_space<hbm>>
      %dma_start3A_242 = tpu.memref_squeeze %dma_start3A_241 : memref<1x1x160x125xi32, #tpu.memory_space<hbm>> -> memref<160x125xi32, #tpu.memory_space<hbm>>
      tpu.enqueue_dma source(%dma_start3A_242 : memref<160x125xi32, #tpu.memory_space<hbm>>) target(%arg7 : memref<160x125xi32, #tpu.memory_space<vmem>>) target_semaphore(%run_scoped3A_234 : memref<!tpu.dma_semaphore, #tpu.memory_space<semaphore_mem>>)
      %dma_wait3A_243 = arith.constant 0 : i32
      %dma_wait3A_244 = arith.constant 0 : i32
      %dma_wait3A_245 = tpu.memref_slice %arg3[%run_scoped3A_1, %arg1, %dma_wait3A_243, %dma_wait3A_244] : memref<2x16x160x125xi32, #tpu.memory_space<hbm>> -> memref<1x1x160x125xi32, #tpu.memory_space<hbm>>
      %dma_wait3A_246 = tpu.memref_squeeze %dma_wait3A_245 : memref<1x1x160x125xi32, #tpu.memory_space<hbm>> -> memref<160x125xi32, #tpu.memory_space<hbm>>
      %dma_wait3A_247 = arith.constant 0 : i32
      %dma_wait3A_248 = arith.constant 0 : i32
      %dma_wait3A_249 = tpu.memref_slice %arg3[%run_scoped3A_1, %arg1, %dma_wait3A_247, %dma_wait3A_248] : memref<2x16x160x125xi32, #tpu.memory_space<hbm>> -> memref<1x1x160x125xi32, #tpu.memory_space<hbm>>
      %dma_wait3A_250 = tpu.memref_squeeze %dma_wait3A_249 : memref<1x1x160x125xi32, #tpu.memory_space<hbm>> -> memref<160x125xi32, #tpu.memory_space<hbm>>
      tpu.wait_dma2 semaphore(%run_scoped3A_234 : memref<!tpu.dma_semaphore, #tpu.memory_space<semaphore_mem>>) src(%dma_wait3A_250 : memref<160x125xi32, #tpu.memory_space<hbm>>) dst(%arg7 : memref<160x125xi32, #tpu.memory_space<vmem>>)
      tpu.yield
    }) : () -> ()
    %barrier3A = arith.constant 0 : index
    tpu.barrier barrier_id(%barrier3A)
    %dma_start3A = arith.constant 0 : i32
    %dma_start3A_2 = arith.constant 0 : i32
    %dma_start3A_3 = arith.constant 0 : i32
    %dma_start3A_4 = arith.constant 0 : i32
    %dma_start3A_5 = tpu.memref_slice %arg8[%dma_start3A_2, %dma_start3A_3, %dma_start3A_4] : memref<4x125x64xf32, #tpu.memory_space<vmem>> -> memref<1x125x64xf32, #tpu.memory_space<vmem>>
    %dma_start3A_6 = tpu.memref_squeeze %dma_start3A_5 : memref<1x125x64xf32, #tpu.memory_space<vmem>> -> memref<125x64xf32, #tpu.memory_space<vmem>>
    %dma_start3A_7 = arith.constant 0 : i32
    %dma_start3A_8 = tpu.memref_slice %arg6[%dma_start3A, %dma_start3A_7] : memref<160x125xi32, #tpu.memory_space<vmem>> -> memref<1x125xi32, #tpu.memory_space<vmem>>
    %dma_start3A_9 = tpu.memref_squeeze %dma_start3A_8 : memref<1x125xi32, #tpu.memory_space<vmem>> -> memref<125xi32, #tpu.memory_space<vmem>>
    %dma_start3A_10 = arith.constant 0 : i32
    %dma_start3A_11 = arith.constant 0 : i32
    %dma_start3A_12 = tpu.memref_slice %arg2[%arg0, %dma_start3A_10, %dma_start3A_11] : memref<2x10000x64xf32, #tpu.memory_space<hbm>> -> memref<1x10000x64xf32, #tpu.memory_space<hbm>>
    %dma_start3A_13 = tpu.memref_squeeze %dma_start3A_12 : memref<1x10000x64xf32, #tpu.memory_space<hbm>> -> memref<10000x64xf32, #tpu.memory_space<hbm>>
    %dma_start3A_14 = arith.constant 0 : i32
    %dma_start3A_15 = arith.constant 0 : i32
    %dma_start3A_16 = tpu.memref_slice %dma_start3A_13[%dma_start3A_14, %dma_start3A_15] : memref<10000x64xf32, #tpu.memory_space<hbm>> -> memref<10000x64xf32, #tpu.memory_space<hbm>>
    tpu.enqueue_indirect_dma source(%dma_start3A_16 : memref<10000x64xf32, #tpu.memory_space<hbm>>) target(%dma_start3A_6 : memref<125x64xf32, #tpu.memory_space<vmem>>) offsets(%dma_start3A_9 : memref<125xi32, #tpu.memory_space<vmem>>) semaphore(%arg10 : memref<!tpu.dma_semaphore, #tpu.memory_space<semaphore_mem>>)
    %dma_start3A_17 = arith.constant 1 : i32
    %dma_start3A_18 = arith.constant 1 : i32
    %dma_start3A_19 = arith.constant 0 : i32
    %dma_start3A_20 = arith.constant 0 : i32
    %dma_start3A_21 = tpu.memref_slice %arg8[%dma_start3A_18, %dma_start3A_19, %dma_start3A_20] : memref<4x125x64xf32, #tpu.memory_space<vmem>> -> memref<1x125x64xf32, #tpu.memory_space<vmem>>
    %dma_start3A_22 = tpu.memref_squeeze %dma_start3A_21 : memref<1x125x64xf32, #tpu.memory_space<vmem>> -> memref<125x64xf32, #tpu.memory_space<vmem>>
    %dma_start3A_23 = arith.constant 0 : i32
    %dma_start3A_24 = tpu.memref_slice %arg6[%dma_start3A_17, %dma_start3A_23] : memref<160x125xi32, #tpu.memory_space<vmem>> -> memref<1x125xi32, #tpu.memory_space<vmem>>
    %dma_start3A_25 = tpu.memref_squeeze %dma_start3A_24 : memref<1x125xi32, #tpu.memory_space<vmem>> -> memref<125xi32, #tpu.memory_space<vmem>>
    %dma_start3A_26 = arith.constant 0 : i32
    %dma_start3A_27 = arith.constant 0 : i32
    %dma_start3A_28 = tpu.memref_slice %arg2[%arg0, %dma_start3A_26, %dma_start3A_27] : memref<2x10000x64xf32, #tpu.memory_space<hbm>> -> memref<1x10000x64xf32, #tpu.memory_space<hbm>>
    %dma_start3A_29 = tpu.memref_squeeze %dma_start3A_28 : memref<1x10000x64xf32, #tpu.memory_space<hbm>> -> memref<10000x64xf32, #tpu.memory_space<hbm>>
    %dma_start3A_30 = arith.constant 0 : i32
    %dma_start3A_31 = arith.constant 0 : i32
    %dma_start3A_32 = tpu.memref_slice %dma_start3A_29[%dma_start3A_30, %dma_start3A_31] : memref<10000x64xf32, #tpu.memory_space<hbm>> -> memref<10000x64xf32, #tpu.memory_space<hbm>>
    tpu.enqueue_indirect_dma source(%dma_start3A_32 : memref<10000x64xf32, #tpu.memory_space<hbm>>) target(%dma_start3A_22 : memref<125x64xf32, #tpu.memory_space<vmem>>) offsets(%dma_start3A_25 : memref<125xi32, #tpu.memory_space<vmem>>) semaphore(%arg11 : memref<!tpu.dma_semaphore, #tpu.memory_space<semaphore_mem>>)
    %dma_start3A_33 = arith.constant 2 : i32
    %dma_start3A_34 = arith.constant 2 : i32
    %dma_start3A_35 = arith.constant 0 : i32
    %dma_start3A_36 = arith.constant 0 : i32
    %dma_start3A_37 = tpu.memref_slice %arg8[%dma_start3A_34, %dma_start3A_35, %dma_start3A_36] : memref<4x125x64xf32, #tpu.memory_space<vmem>> -> memref<1x125x64xf32, #tpu.memory_space<vmem>>
    %dma_start3A_38 = tpu.memref_squeeze %dma_start3A_37 : memref<1x125x64xf32, #tpu.memory_space<vmem>> -> memref<125x64xf32, #tpu.memory_space<vmem>>
    %dma_start3A_39 = arith.constant 0 : i32
    %dma_start3A_40 = tpu.memref_slice %arg6[%dma_start3A_33, %dma_start3A_39] : memref<160x125xi32, #tpu.memory_space<vmem>> -> memref<1x125xi32, #tpu.memory_space<vmem>>
    %dma_start3A_41 = tpu.memref_squeeze %dma_start3A_40 : memref<1x125xi32, #tpu.memory_space<vmem>> -> memref<125xi32, #tpu.memory_space<vmem>>
    %dma_start3A_42 = arith.constant 0 : i32
    %dma_start3A_43 = arith.constant 0 : i32
    %dma_start3A_44 = tpu.memref_slice %arg2[%arg0, %dma_start3A_42, %dma_start3A_43] : memref<2x10000x64xf32, #tpu.memory_space<hbm>> -> memref<1x10000x64xf32, #tpu.memory_space<hbm>>
    %dma_start3A_45 = tpu.memref_squeeze %dma_start3A_44 : memref<1x10000x64xf32, #tpu.memory_space<hbm>> -> memref<10000x64xf32, #tpu.memory_space<hbm>>
    %dma_start3A_46 = arith.constant 0 : i32
    %dma_start3A_47 = arith.constant 0 : i32
    %dma_start3A_48 = tpu.memref_slice %dma_start3A_45[%dma_start3A_46, %dma_start3A_47] : memref<10000x64xf32, #tpu.memory_space<hbm>> -> memref<10000x64xf32, #tpu.memory_space<hbm>>
    tpu.enqueue_indirect_dma source(%dma_start3A_48 : memref<10000x64xf32, #tpu.memory_space<hbm>>) target(%dma_start3A_38 : memref<125x64xf32, #tpu.memory_space<vmem>>) offsets(%dma_start3A_41 : memref<125xi32, #tpu.memory_space<vmem>>) semaphore(%arg12 : memref<!tpu.dma_semaphore, #tpu.memory_space<semaphore_mem>>)
    %dma_wait3A = arith.constant 0 : i32
    %dma_wait3A_49 = arith.constant 0 : i32
    %dma_wait3A_50 = arith.constant 0 : i32
    %dma_wait3A_51 = arith.constant 0 : i32
    %dma_wait3A_52 = tpu.memref_slice %arg8[%dma_wait3A_49, %dma_wait3A_50, %dma_wait3A_51] : memref<4x125x64xf32, #tpu.memory_space<vmem>> -> memref<1x125x64xf32, #tpu.memory_space<vmem>>
    %dma_wait3A_53 = tpu.memref_squeeze %dma_wait3A_52 : memref<1x125x64xf32, #tpu.memory_space<vmem>> -> memref<125x64xf32, #tpu.memory_space<vmem>>
    %dma_wait3A_54 = arith.constant 0 : i32
    %dma_wait3A_55 = tpu.memref_slice %arg6[%dma_wait3A, %dma_wait3A_54] : memref<160x125xi32, #tpu.memory_space<vmem>> -> memref<1x125xi32, #tpu.memory_space<vmem>>
    %dma_wait3A_56 = tpu.memref_squeeze %dma_wait3A_55 : memref<1x125xi32, #tpu.memory_space<vmem>> -> memref<125xi32, #tpu.memory_space<vmem>>
    %dma_wait3A_57 = arith.constant 0 : i32
    %dma_wait3A_58 = arith.constant 0 : i32
    %dma_wait3A_59 = tpu.memref_slice %arg2[%arg0, %dma_wait3A_57, %dma_wait3A_58] : memref<2x10000x64xf32, #tpu.memory_space<hbm>> -> memref<1x10000x64xf32, #tpu.memory_space<hbm>>
    %dma_wait3A_60 = tpu.memref_squeeze %dma_wait3A_59 : memref<1x10000x64xf32, #tpu.memory_space<hbm>> -> memref<10000x64xf32, #tpu.memory_space<hbm>>
    %dma_wait3A_61 = arith.constant 0 : i32
    %dma_wait3A_62 = arith.constant 0 : i32
    %dma_wait3A_63 = tpu.memref_slice %dma_wait3A_60[%dma_wait3A_61, %dma_wait3A_62] : memref<10000x64xf32, #tpu.memory_space<hbm>> -> memref<10000x64xf32, #tpu.memory_space<hbm>>
    tpu.wait_indirect_dma semaphore(%arg10 : memref<!tpu.dma_semaphore, #tpu.memory_space<semaphore_mem>>) src(%dma_wait3A_63 : memref<10000x64xf32, #tpu.memory_space<hbm>>) dst(%dma_wait3A_53 : memref<125x64xf32, #tpu.memory_space<vmem>>)
    %dma_start3A_64 = arith.constant 0 : i32
    %dma_start3A_65 = arith.constant 0 : i32
    %dma_start3A_66 = arith.constant 0 : i32
    %dma_start3A_67 = arith.constant 0 : i32
    %dma_start3A_68 = tpu.memref_slice %arg8[%dma_start3A_64, %dma_start3A_66, %dma_start3A_67] : memref<4x125x64xf32, #tpu.memory_space<vmem>> -> memref<1x125x64xf32, #tpu.memory_space<vmem>>
    %dma_start3A_69 = tpu.memref_squeeze %dma_start3A_68 : memref<1x125x64xf32, #tpu.memory_space<vmem>> -> memref<125x64xf32, #tpu.memory_space<vmem>>
    %dma_start3A_70 = arith.constant 0 : i32
    %dma_start3A_71 = tpu.memref_slice %arg7[%dma_start3A_65, %dma_start3A_70] : memref<160x125xi32, #tpu.memory_space<vmem>> -> memref<1x125xi32, #tpu.memory_space<vmem>>
    %dma_start3A_72 = tpu.memref_squeeze %dma_start3A_71 : memref<1x125xi32, #tpu.memory_space<vmem>> -> memref<125xi32, #tpu.memory_space<vmem>>
    %dma_start3A_73 = arith.constant 0 : i32
    %dma_start3A_74 = arith.constant 0 : i32
    %dma_start3A_75 = tpu.memref_slice %arg9[%dma_start3A_73, %dma_start3A_74] : memref<10240x64xf32, #tpu.memory_space<vmem_shared>> -> memref<10240x64xf32, #tpu.memory_space<vmem_shared>>
    tpu.enqueue_indirect_dma source(%dma_start3A_69 : memref<125x64xf32, #tpu.memory_space<vmem>>) target(%dma_start3A_75 : memref<10240x64xf32, #tpu.memory_space<vmem_shared>>) offsets(%dma_start3A_72 : memref<125xi32, #tpu.memory_space<vmem>>) semaphore(%arg14 : memref<!tpu.dma_semaphore, #tpu.memory_space<semaphore_mem>>) {add = true}
    %dma_start3A_76 = arith.constant 3 : i32
    %dma_start3A_77 = arith.constant 3 : i32
    %dma_start3A_78 = arith.constant 0 : i32
    %dma_start3A_79 = arith.constant 0 : i32
    %dma_start3A_80 = tpu.memref_slice %arg8[%dma_start3A_77, %dma_start3A_78, %dma_start3A_79] : memref<4x125x64xf32, #tpu.memory_space<vmem>> -> memref<1x125x64xf32, #tpu.memory_space<vmem>>
    %dma_start3A_81 = tpu.memref_squeeze %dma_start3A_80 : memref<1x125x64xf32, #tpu.memory_space<vmem>> -> memref<125x64xf32, #tpu.memory_space<vmem>>
    %dma_start3A_82 = arith.constant 0 : i32
    %dma_start3A_83 = tpu.memref_slice %arg6[%dma_start3A_76, %dma_start3A_82] : memref<160x125xi32, #tpu.memory_space<vmem>> -> memref<1x125xi32, #tpu.memory_space<vmem>>
    %dma_start3A_84 = tpu.memref_squeeze %dma_start3A_83 : memref<1x125xi32, #tpu.memory_space<vmem>> -> memref<125xi32, #tpu.memory_space<vmem>>
    %dma_start3A_85 = arith.constant 0 : i32
    %dma_start3A_86 = arith.constant 0 : i32
    %dma_start3A_87 = tpu.memref_slice %arg2[%arg0, %dma_start3A_85, %dma_start3A_86] : memref<2x10000x64xf32, #tpu.memory_space<hbm>> -> memref<1x10000x64xf32, #tpu.memory_space<hbm>>
    %dma_start3A_88 = tpu.memref_squeeze %dma_start3A_87 : memref<1x10000x64xf32, #tpu.memory_space<hbm>> -> memref<10000x64xf32, #tpu.memory_space<hbm>>
    %dma_start3A_89 = arith.constant 0 : i32
    %dma_start3A_90 = arith.constant 0 : i32
    %dma_start3A_91 = tpu.memref_slice %dma_start3A_88[%dma_start3A_89, %dma_start3A_90] : memref<10000x64xf32, #tpu.memory_space<hbm>> -> memref<10000x64xf32, #tpu.memory_space<hbm>>
    tpu.enqueue_indirect_dma source(%dma_start3A_91 : memref<10000x64xf32, #tpu.memory_space<hbm>>) target(%dma_start3A_81 : memref<125x64xf32, #tpu.memory_space<vmem>>) offsets(%dma_start3A_84 : memref<125xi32, #tpu.memory_space<vmem>>) semaphore(%arg13 : memref<!tpu.dma_semaphore, #tpu.memory_space<semaphore_mem>>)
    %dma_wait3A_92 = arith.constant 1 : i32
    %dma_wait3A_93 = arith.constant 1 : i32
    %dma_wait3A_94 = arith.constant 0 : i32
    %dma_wait3A_95 = arith.constant 0 : i32
    %dma_wait3A_96 = tpu.memref_slice %arg8[%dma_wait3A_93, %dma_wait3A_94, %dma_wait3A_95] : memref<4x125x64xf32, #tpu.memory_space<vmem>> -> memref<1x125x64xf32, #tpu.memory_space<vmem>>
    %dma_wait3A_97 = tpu.memref_squeeze %dma_wait3A_96 : memref<1x125x64xf32, #tpu.memory_space<vmem>> -> memref<125x64xf32, #tpu.memory_space<vmem>>
    %dma_wait3A_98 = arith.constant 0 : i32
    %dma_wait3A_99 = tpu.memref_slice %arg6[%dma_wait3A_92, %dma_wait3A_98] : memref<160x125xi32, #tpu.memory_space<vmem>> -> memref<1x125xi32, #tpu.memory_space<vmem>>
    %dma_wait3A_100 = tpu.memref_squeeze %dma_wait3A_99 : memref<1x125xi32, #tpu.memory_space<vmem>> -> memref<125xi32, #tpu.memory_space<vmem>>
    %dma_wait3A_101 = arith.constant 0 : i32
    %dma_wait3A_102 = arith.constant 0 : i32
    %dma_wait3A_103 = tpu.memref_slice %arg2[%arg0, %dma_wait3A_101, %dma_wait3A_102] : memref<2x10000x64xf32, #tpu.memory_space<hbm>> -> memref<1x10000x64xf32, #tpu.memory_space<hbm>>
    %dma_wait3A_104 = tpu.memref_squeeze %dma_wait3A_103 : memref<1x10000x64xf32, #tpu.memory_space<hbm>> -> memref<10000x64xf32, #tpu.memory_space<hbm>>
    %dma_wait3A_105 = arith.constant 0 : i32
    %dma_wait3A_106 = arith.constant 0 : i32
    %dma_wait3A_107 = tpu.memref_slice %dma_wait3A_104[%dma_wait3A_105, %dma_wait3A_106] : memref<10000x64xf32, #tpu.memory_space<hbm>> -> memref<10000x64xf32, #tpu.memory_space<hbm>>
    tpu.wait_indirect_dma semaphore(%arg11 : memref<!tpu.dma_semaphore, #tpu.memory_space<semaphore_mem>>) src(%dma_wait3A_107 : memref<10000x64xf32, #tpu.memory_space<hbm>>) dst(%dma_wait3A_97 : memref<125x64xf32, #tpu.memory_space<vmem>>)
    %dma_start3A_108 = arith.constant 1 : i32
    %dma_start3A_109 = arith.constant 1 : i32
    %dma_start3A_110 = arith.constant 0 : i32
    %dma_start3A_111 = arith.constant 0 : i32
    %dma_start3A_112 = tpu.memref_slice %arg8[%dma_start3A_108, %dma_start3A_110, %dma_start3A_111] : memref<4x125x64xf32, #tpu.memory_space<vmem>> -> memref<1x125x64xf32, #tpu.memory_space<vmem>>
    %dma_start3A_113 = tpu.memref_squeeze %dma_start3A_112 : memref<1x125x64xf32, #tpu.memory_space<vmem>> -> memref<125x64xf32, #tpu.memory_space<vmem>>
    %dma_start3A_114 = arith.constant 0 : i32
    %dma_start3A_115 = tpu.memref_slice %arg7[%dma_start3A_109, %dma_start3A_114] : memref<160x125xi32, #tpu.memory_space<vmem>> -> memref<1x125xi32, #tpu.memory_space<vmem>>
    %dma_start3A_116 = tpu.memref_squeeze %dma_start3A_115 : memref<1x125xi32, #tpu.memory_space<vmem>> -> memref<125xi32, #tpu.memory_space<vmem>>
    %dma_start3A_117 = arith.constant 0 : i32
    %dma_start3A_118 = arith.constant 0 : i32
    %dma_start3A_119 = tpu.memref_slice %arg9[%dma_start3A_117, %dma_start3A_118] : memref<10240x64xf32, #tpu.memory_space<vmem_shared>> -> memref<10240x64xf32, #tpu.memory_space<vmem_shared>>
    tpu.enqueue_indirect_dma source(%dma_start3A_113 : memref<125x64xf32, #tpu.memory_space<vmem>>) target(%dma_start3A_119 : memref<10240x64xf32, #tpu.memory_space<vmem_shared>>) offsets(%dma_start3A_116 : memref<125xi32, #tpu.memory_space<vmem>>) semaphore(%arg15 : memref<!tpu.dma_semaphore, #tpu.memory_space<semaphore_mem>>) {add = true}
    %scan3A = arith.constant 0 : i32
    %scan3A_120 = arith.constant 0 : i32
    %scan3A_121 = arith.constant 39 : i32
    %scan3A_122 = arith.addi %scan3A_120, %scan3A_121 : i32
    %scan3A_123 = arith.constant 1 : i32
    scf.for %scan3A_234 = %scan3A_120 to %scan3A_122 step %scan3A_123  : i32 {
      %mul3A_235 = arith.constant 4 : i32
      %mul3A_236 = arith.muli %mul3A_235, %scan3A_234 : i32
      %add3A = arith.constant 2 : i32
      %add3A_237 = arith.addi %mul3A_236, %add3A : i32
      %add3A_238 = arith.constant 0 : i32
      %add3A_239 = arith.addi %add3A_237, %add3A_238 : i32
      %sub3A = arith.constant 2 : i32
      %sub3A_240 = arith.subi %add3A_239, %sub3A : i32
      %dma_wait3A_241 = arith.constant 0 : i32
      %dma_wait3A_242 = arith.constant 0 : i32
      %dma_wait3A_243 = arith.constant 0 : i32
      %dma_wait3A_244 = tpu.memref_slice %arg8[%dma_wait3A_241, %dma_wait3A_242, %dma_wait3A_243] : memref<4x125x64xf32, #tpu.memory_space<vmem>> -> memref<1x125x64xf32, #tpu.memory_space<vmem>>
      %dma_wait3A_245 = tpu.memref_squeeze %dma_wait3A_244 : memref<1x125x64xf32, #tpu.memory_space<vmem>> -> memref<125x64xf32, #tpu.memory_space<vmem>>
      %dma_wait3A_246 = arith.constant 0 : i32
      %dma_wait3A_247 = tpu.memref_slice %arg7[%sub3A_240, %dma_wait3A_246] : memref<160x125xi32, #tpu.memory_space<vmem>> -> memref<1x125xi32, #tpu.memory_space<vmem>>
      %dma_wait3A_248 = tpu.memref_squeeze %dma_wait3A_247 : memref<1x125xi32, #tpu.memory_space<vmem>> -> memref<125xi32, #tpu.memory_space<vmem>>
      %dma_wait3A_249 = arith.constant 0 : i32
      %dma_wait3A_250 = arith.constant 0 : i32
      %dma_wait3A_251 = tpu.memref_slice %arg9[%dma_wait3A_249, %dma_wait3A_250] : memref<10240x64xf32, #tpu.memory_space<vmem_shared>> -> memref<10240x64xf32, #tpu.memory_space<vmem_shared>>
      tpu.wait_indirect_dma semaphore(%arg14 : memref<!tpu.dma_semaphore, #tpu.memory_space<semaphore_mem>>) src(%dma_wait3A_245 : memref<125x64xf32, #tpu.memory_space<vmem>>) dst(%dma_wait3A_251 : memref<10240x64xf32, #tpu.memory_space<vmem_shared>>)
      %add3A_252 = arith.constant 2 : i32
      %add3A_253 = arith.addi %add3A_239, %add3A_252 : i32
      %dma_start3A_254 = arith.constant 0 : i32
      %dma_start3A_255 = arith.constant 0 : i32
      %dma_start3A_256 = arith.constant 0 : i32
      %dma_start3A_257 = tpu.memref_slice %arg8[%dma_start3A_254, %dma_start3A_255, %dma_start3A_256] : memref<4x125x64xf32, #tpu.memory_space<vmem>> -> memref<1x125x64xf32, #tpu.memory_space<vmem>>
      %dma_start3A_258 = tpu.memref_squeeze %dma_start3A_257 : memref<1x125x64xf32, #tpu.memory_space<vmem>> -> memref<125x64xf32, #tpu.memory_space<vmem>>
      %dma_start3A_259 = arith.constant 0 : i32
      %dma_start3A_260 = tpu.memref_slice %arg6[%add3A_253, %dma_start3A_259] : memref<160x125xi32, #tpu.memory_space<vmem>> -> memref<1x125xi32, #tpu.memory_space<vmem>>
      %dma_start3A_261 = tpu.memref_squeeze %dma_start3A_260 : memref<1x125xi32, #tpu.memory_space<vmem>> -> memref<125xi32, #tpu.memory_space<vmem>>
      %dma_start3A_262 = arith.constant 0 : i32
      %dma_start3A_263 = arith.constant 0 : i32
      %dma_start3A_264 = tpu.memref_slice %arg2[%arg0, %dma_start3A_262, %dma_start3A_263] : memref<2x10000x64xf32, #tpu.memory_space<hbm>> -> memref<1x10000x64xf32, #tpu.memory_space<hbm>>
      %dma_start3A_265 = tpu.memref_squeeze %dma_start3A_264 : memref<1x10000x64xf32, #tpu.memory_space<hbm>> -> memref<10000x64xf32, #tpu.memory_space<hbm>>
      %dma_start3A_266 = arith.constant 0 : i32
      %dma_start3A_267 = arith.constant 0 : i32
      %dma_start3A_268 = tpu.memref_slice %dma_start3A_265[%dma_start3A_266, %dma_start3A_267] : memref<10000x64xf32, #tpu.memory_space<hbm>> -> memref<10000x64xf32, #tpu.memory_space<hbm>>
      tpu.enqueue_indirect_dma source(%dma_start3A_268 : memref<10000x64xf32, #tpu.memory_space<hbm>>) target(%dma_start3A_258 : memref<125x64xf32, #tpu.memory_space<vmem>>) offsets(%dma_start3A_261 : memref<125xi32, #tpu.memory_space<vmem>>) semaphore(%arg10 : memref<!tpu.dma_semaphore, #tpu.memory_space<semaphore_mem>>)
      %dma_wait3A_269 = arith.constant 2 : i32
      %dma_wait3A_270 = arith.constant 0 : i32
      %dma_wait3A_271 = arith.constant 0 : i32
      %dma_wait3A_272 = tpu.memref_slice %arg8[%dma_wait3A_269, %dma_wait3A_270, %dma_wait3A_271] : memref<4x125x64xf32, #tpu.memory_space<vmem>> -> memref<1x125x64xf32, #tpu.memory_space<vmem>>
      %dma_wait3A_273 = tpu.memref_squeeze %dma_wait3A_272 : memref<1x125x64xf32, #tpu.memory_space<vmem>> -> memref<125x64xf32, #tpu.memory_space<vmem>>
      %dma_wait3A_274 = arith.constant 0 : i32
      %dma_wait3A_275 = tpu.memref_slice %arg6[%add3A_239, %dma_wait3A_274] : memref<160x125xi32, #tpu.memory_space<vmem>> -> memref<1x125xi32, #tpu.memory_space<vmem>>
      %dma_wait3A_276 = tpu.memref_squeeze %dma_wait3A_275 : memref<1x125xi32, #tpu.memory_space<vmem>> -> memref<125xi32, #tpu.memory_space<vmem>>
      %dma_wait3A_277 = arith.constant 0 : i32
      %dma_wait3A_278 = arith.constant 0 : i32
      %dma_wait3A_279 = tpu.memref_slice %arg2[%arg0, %dma_wait3A_277, %dma_wait3A_278] : memref<2x10000x64xf32, #tpu.memory_space<hbm>> -> memref<1x10000x64xf32, #tpu.memory_space<hbm>>
      %dma_wait3A_280 = tpu.memref_squeeze %dma_wait3A_279 : memref<1x10000x64xf32, #tpu.memory_space<hbm>> -> memref<10000x64xf32, #tpu.memory_space<hbm>>
      %dma_wait3A_281 = arith.constant 0 : i32
      %dma_wait3A_282 = arith.constant 0 : i32
      %dma_wait3A_283 = tpu.memref_slice %dma_wait3A_280[%dma_wait3A_281, %dma_wait3A_282] : memref<10000x64xf32, #tpu.memory_space<hbm>> -> memref<10000x64xf32, #tpu.memory_space<hbm>>
      tpu.wait_indirect_dma semaphore(%arg12 : memref<!tpu.dma_semaphore, #tpu.memory_space<semaphore_mem>>) src(%dma_wait3A_283 : memref<10000x64xf32, #tpu.memory_space<hbm>>) dst(%dma_wait3A_273 : memref<125x64xf32, #tpu.memory_space<vmem>>)
      %dma_start3A_284 = arith.constant 2 : i32
      %dma_start3A_285 = arith.constant 0 : i32
      %dma_start3A_286 = arith.constant 0 : i32
      %dma_start3A_287 = tpu.memref_slice %arg8[%dma_start3A_284, %dma_start3A_285, %dma_start3A_286] : memref<4x125x64xf32, #tpu.memory_space<vmem>> -> memref<1x125x64xf32, #tpu.memory_space<vmem>>
      %dma_start3A_288 = tpu.memref_squeeze %dma_start3A_287 : memref<1x125x64xf32, #tpu.memory_space<vmem>> -> memref<125x64xf32, #tpu.memory_space<vmem>>
      %dma_start3A_289 = arith.constant 0 : i32
      %dma_start3A_290 = tpu.memref_slice %arg7[%add3A_239, %dma_start3A_289] : memref<160x125xi32, #tpu.memory_space<vmem>> -> memref<1x125xi32, #tpu.memory_space<vmem>>
      %dma_start3A_291 = tpu.memref_squeeze %dma_start3A_290 : memref<1x125xi32, #tpu.memory_space<vmem>> -> memref<125xi32, #tpu.memory_space<vmem>>
      %dma_start3A_292 = arith.constant 0 : i32
      %dma_start3A_293 = arith.constant 0 : i32
      %dma_start3A_294 = tpu.memref_slice %arg9[%dma_start3A_292, %dma_start3A_293] : memref<10240x64xf32, #tpu.memory_space<vmem_shared>> -> memref<10240x64xf32, #tpu.memory_space<vmem_shared>>
      tpu.enqueue_indirect_dma source(%dma_start3A_288 : memref<125x64xf32, #tpu.memory_space<vmem>>) target(%dma_start3A_294 : memref<10240x64xf32, #tpu.memory_space<vmem_shared>>) offsets(%dma_start3A_291 : memref<125xi32, #tpu.memory_space<vmem>>) semaphore(%arg16 : memref<!tpu.dma_semaphore, #tpu.memory_space<semaphore_mem>>) {add = true}
      %add3A_295 = arith.constant 1 : i32
      %add3A_296 = arith.addi %add3A_237, %add3A_295 : i32
      %sub3A_297 = arith.constant 2 : i32
      %sub3A_298 = arith.subi %add3A_296, %sub3A_297 : i32
      %dma_wait3A_299 = arith.constant 1 : i32
      %dma_wait3A_300 = arith.constant 0 : i32
      %dma_wait3A_301 = arith.constant 0 : i32
      %dma_wait3A_302 = tpu.memref_slice %arg8[%dma_wait3A_299, %dma_wait3A_300, %dma_wait3A_301] : memref<4x125x64xf32, #tpu.memory_space<vmem>> -> memref<1x125x64xf32, #tpu.memory_space<vmem>>
      %dma_wait3A_303 = tpu.memref_squeeze %dma_wait3A_302 : memref<1x125x64xf32, #tpu.memory_space<vmem>> -> memref<125x64xf32, #tpu.memory_space<vmem>>
      %dma_wait3A_304 = arith.constant 0 : i32
      %dma_wait3A_305 = tpu.memref_slice %arg7[%sub3A_298, %dma_wait3A_304] : memref<160x125xi32, #tpu.memory_space<vmem>> -> memref<1x125xi32, #tpu.memory_space<vmem>>
      %dma_wait3A_306 = tpu.memref_squeeze %dma_wait3A_305 : memref<1x125xi32, #tpu.memory_space<vmem>> -> memref<125xi32, #tpu.memory_space<vmem>>
      %dma_wait3A_307 = arith.constant 0 : i32
      %dma_wait3A_308 = arith.constant 0 : i32
      %dma_wait3A_309 = tpu.memref_slice %arg9[%dma_wait3A_307, %dma_wait3A_308] : memref<10240x64xf32, #tpu.memory_space<vmem_shared>> -> memref<10240x64xf32, #tpu.memory_space<vmem_shared>>
      tpu.wait_indirect_dma semaphore(%arg15 : memref<!tpu.dma_semaphore, #tpu.memory_space<semaphore_mem>>) src(%dma_wait3A_303 : memref<125x64xf32, #tpu.memory_space<vmem>>) dst(%dma_wait3A_309 : memref<10240x64xf32, #tpu.memory_space<vmem_shared>>)
      %add3A_310 = arith.constant 2 : i32
      %add3A_311 = arith.addi %add3A_296, %add3A_310 : i32
      %dma_start3A_312 = arith.constant 1 : i32
      %dma_start3A_313 = arith.constant 0 : i32
      %dma_start3A_314 = arith.constant 0 : i32
      %dma_start3A_315 = tpu.memref_slice %arg8[%dma_start3A_312, %dma_start3A_313, %dma_start3A_314] : memref<4x125x64xf32, #tpu.memory_space<vmem>> -> memref<1x125x64xf32, #tpu.memory_space<vmem>>
      %dma_start3A_316 = tpu.memref_squeeze %dma_start3A_315 : memref<1x125x64xf32, #tpu.memory_space<vmem>> -> memref<125x64xf32, #tpu.memory_space<vmem>>
      %dma_start3A_317 = arith.constant 0 : i32
      %dma_start3A_318 = tpu.memref_slice %arg6[%add3A_311, %dma_start3A_317] : memref<160x125xi32, #tpu.memory_space<vmem>> -> memref<1x125xi32, #tpu.memory_space<vmem>>
      %dma_start3A_319 = tpu.memref_squeeze %dma_start3A_318 : memref<1x125xi32, #tpu.memory_space<vmem>> -> memref<125xi32, #tpu.memory_space<vmem>>
      %dma_start3A_320 = arith.constant 0 : i32
      %dma_start3A_321 = arith.constant 0 : i32
      %dma_start3A_322 = tpu.memref_slice %arg2[%arg0, %dma_start3A_320, %dma_start3A_321] : memref<2x10000x64xf32, #tpu.memory_space<hbm>> -> memref<1x10000x64xf32, #tpu.memory_space<hbm>>
      %dma_start3A_323 = tpu.memref_squeeze %dma_start3A_322 : memref<1x10000x64xf32, #tpu.memory_space<hbm>> -> memref<10000x64xf32, #tpu.memory_space<hbm>>
      %dma_start3A_324 = arith.constant 0 : i32
      %dma_start3A_325 = arith.constant 0 : i32
      %dma_start3A_326 = tpu.memref_slice %dma_start3A_323[%dma_start3A_324, %dma_start3A_325] : memref<10000x64xf32, #tpu.memory_space<hbm>> -> memref<10000x64xf32, #tpu.memory_space<hbm>>
      tpu.enqueue_indirect_dma source(%dma_start3A_326 : memref<10000x64xf32, #tpu.memory_space<hbm>>) target(%dma_start3A_316 : memref<125x64xf32, #tpu.memory_space<vmem>>) offsets(%dma_start3A_319 : memref<125xi32, #tpu.memory_space<vmem>>) semaphore(%arg11 : memref<!tpu.dma_semaphore, #tpu.memory_space<semaphore_mem>>)
      %dma_wait3A_327 = arith.constant 3 : i32
      %dma_wait3A_328 = arith.constant 0 : i32
      %dma_wait3A_329 = arith.constant 0 : i32
      %dma_wait3A_330 = tpu.memref_slice %arg8[%dma_wait3A_327, %dma_wait3A_328, %dma_wait3A_329] : memref<4x125x64xf32, #tpu.memory_space<vmem>> -> memref<1x125x64xf32, #tpu.memory_space<vmem>>
      %dma_wait3A_331 = tpu.memref_squeeze %dma_wait3A_330 : memref<1x125x64xf32, #tpu.memory_space<vmem>> -> memref<125x64xf32, #tpu.memory_space<vmem>>
      %dma_wait3A_332 = arith.constant 0 : i32
      %dma_wait3A_333 = tpu.memref_slice %arg6[%add3A_296, %dma_wait3A_332] : memref<160x125xi32, #tpu.memory_space<vmem>> -> memref<1x125xi32, #tpu.memory_space<vmem>>
      %dma_wait3A_334 = tpu.memref_squeeze %dma_wait3A_333 : memref<1x125xi32, #tpu.memory_space<vmem>> -> memref<125xi32, #tpu.memory_space<vmem>>
      %dma_wait3A_335 = arith.constant 0 : i32
      %dma_wait3A_336 = arith.constant 0 : i32
      %dma_wait3A_337 = tpu.memref_slice %arg2[%arg0, %dma_wait3A_335, %dma_wait3A_336] : memref<2x10000x64xf32, #tpu.memory_space<hbm>> -> memref<1x10000x64xf32, #tpu.memory_space<hbm>>
      %dma_wait3A_338 = tpu.memref_squeeze %dma_wait3A_337 : memref<1x10000x64xf32, #tpu.memory_space<hbm>> -> memref<10000x64xf32, #tpu.memory_space<hbm>>
      %dma_wait3A_339 = arith.constant 0 : i32
      %dma_wait3A_340 = arith.constant 0 : i32
      %dma_wait3A_341 = tpu.memref_slice %dma_wait3A_338[%dma_wait3A_339, %dma_wait3A_340] : memref<10000x64xf32, #tpu.memory_space<hbm>> -> memref<10000x64xf32, #tpu.memory_space<hbm>>
      tpu.wait_indirect_dma semaphore(%arg13 : memref<!tpu.dma_semaphore, #tpu.memory_space<semaphore_mem>>) src(%dma_wait3A_341 : memref<10000x64xf32, #tpu.memory_space<hbm>>) dst(%dma_wait3A_331 : memref<125x64xf32, #tpu.memory_space<vmem>>)
      %dma_start3A_342 = arith.constant 3 : i32
      %dma_start3A_343 = arith.constant 0 : i32
      %dma_start3A_344 = arith.constant 0 : i32
      %dma_start3A_345 = tpu.memref_slice %arg8[%dma_start3A_342, %dma_start3A_343, %dma_start3A_344] : memref<4x125x64xf32, #tpu.memory_space<vmem>> -> memref<1x125x64xf32, #tpu.memory_space<vmem>>
      %dma_start3A_346 = tpu.memref_squeeze %dma_start3A_345 : memref<1x125x64xf32, #tpu.memory_space<vmem>> -> memref<125x64xf32, #tpu.memory_space<vmem>>
      %dma_start3A_347 = arith.constant 0 : i32
      %dma_start3A_348 = tpu.memref_slice %arg7[%add3A_296, %dma_start3A_347] : memref<160x125xi32, #tpu.memory_space<vmem>> -> memref<1x125xi32, #tpu.memory_space<vmem>>
      %dma_start3A_349 = tpu.memref_squeeze %dma_start3A_348 : memref<1x125xi32, #tpu.memory_space<vmem>> -> memref<125xi32, #tpu.memory_space<vmem>>
      %dma_start3A_350 = arith.constant 0 : i32
      %dma_start3A_351 = arith.constant 0 : i32
      %dma_start3A_352 = tpu.memref_slice %arg9[%dma_start3A_350, %dma_start3A_351] : memref<10240x64xf32, #tpu.memory_space<vmem_shared>> -> memref<10240x64xf32, #tpu.memory_space<vmem_shared>>
      tpu.enqueue_indirect_dma source(%dma_start3A_346 : memref<125x64xf32, #tpu.memory_space<vmem>>) target(%dma_start3A_352 : memref<10240x64xf32, #tpu.memory_space<vmem_shared>>) offsets(%dma_start3A_349 : memref<125xi32, #tpu.memory_space<vmem>>) semaphore(%arg17 : memref<!tpu.dma_semaphore, #tpu.memory_space<semaphore_mem>>) {add = true}
      %add3A_353 = arith.constant 2 : i32
      %add3A_354 = arith.addi %add3A_237, %add3A_353 : i32
      %sub3A_355 = arith.constant 2 : i32
      %sub3A_356 = arith.subi %add3A_354, %sub3A_355 : i32
      %dma_wait3A_357 = arith.constant 2 : i32
      %dma_wait3A_358 = arith.constant 0 : i32
      %dma_wait3A_359 = arith.constant 0 : i32
      %dma_wait3A_360 = tpu.memref_slice %arg8[%dma_wait3A_357, %dma_wait3A_358, %dma_wait3A_359] : memref<4x125x64xf32, #tpu.memory_space<vmem>> -> memref<1x125x64xf32, #tpu.memory_space<vmem>>
      %dma_wait3A_361 = tpu.memref_squeeze %dma_wait3A_360 : memref<1x125x64xf32, #tpu.memory_space<vmem>> -> memref<125x64xf32, #tpu.memory_space<vmem>>
      %dma_wait3A_362 = arith.constant 0 : i32
      %dma_wait3A_363 = tpu.memref_slice %arg7[%sub3A_356, %dma_wait3A_362] : memref<160x125xi32, #tpu.memory_space<vmem>> -> memref<1x125xi32, #tpu.memory_space<vmem>>
      %dma_wait3A_364 = tpu.memref_squeeze %dma_wait3A_363 : memref<1x125xi32, #tpu.memory_space<vmem>> -> memref<125xi32, #tpu.memory_space<vmem>>
      %dma_wait3A_365 = arith.constant 0 : i32
      %dma_wait3A_366 = arith.constant 0 : i32
      %dma_wait3A_367 = tpu.memref_slice %arg9[%dma_wait3A_365, %dma_wait3A_366] : memref<10240x64xf32, #tpu.memory_space<vmem_shared>> -> memref<10240x64xf32, #tpu.memory_space<vmem_shared>>
      tpu.wait_indirect_dma semaphore(%arg16 : memref<!tpu.dma_semaphore, #tpu.memory_space<semaphore_mem>>) src(%dma_wait3A_361 : memref<125x64xf32, #tpu.memory_space<vmem>>) dst(%dma_wait3A_367 : memref<10240x64xf32, #tpu.memory_space<vmem_shared>>)
      %add3A_368 = arith.constant 2 : i32
      %add3A_369 = arith.addi %add3A_354, %add3A_368 : i32
      %dma_start3A_370 = arith.constant 2 : i32
      %dma_start3A_371 = arith.constant 0 : i32
      %dma_start3A_372 = arith.constant 0 : i32
      %dma_start3A_373 = tpu.memref_slice %arg8[%dma_start3A_370, %dma_start3A_371, %dma_start3A_372] : memref<4x125x64xf32, #tpu.memory_space<vmem>> -> memref<1x125x64xf32, #tpu.memory_space<vmem>>
      %dma_start3A_374 = tpu.memref_squeeze %dma_start3A_373 : memref<1x125x64xf32, #tpu.memory_space<vmem>> -> memref<125x64xf32, #tpu.memory_space<vmem>>
      %dma_start3A_375 = arith.constant 0 : i32
      %dma_start3A_376 = tpu.memref_slice %arg6[%add3A_369, %dma_start3A_375] : memref<160x125xi32, #tpu.memory_space<vmem>> -> memref<1x125xi32, #tpu.memory_space<vmem>>
      %dma_start3A_377 = tpu.memref_squeeze %dma_start3A_376 : memref<1x125xi32, #tpu.memory_space<vmem>> -> memref<125xi32, #tpu.memory_space<vmem>>
      %dma_start3A_378 = arith.constant 0 : i32
      %dma_start3A_379 = arith.constant 0 : i32
      %dma_start3A_380 = tpu.memref_slice %arg2[%arg0, %dma_start3A_378, %dma_start3A_379] : memref<2x10000x64xf32, #tpu.memory_space<hbm>> -> memref<1x10000x64xf32, #tpu.memory_space<hbm>>
      %dma_start3A_381 = tpu.memref_squeeze %dma_start3A_380 : memref<1x10000x64xf32, #tpu.memory_space<hbm>> -> memref<10000x64xf32, #tpu.memory_space<hbm>>
      %dma_start3A_382 = arith.constant 0 : i32
      %dma_start3A_383 = arith.constant 0 : i32
      %dma_start3A_384 = tpu.memref_slice %dma_start3A_381[%dma_start3A_382, %dma_start3A_383] : memref<10000x64xf32, #tpu.memory_space<hbm>> -> memref<10000x64xf32, #tpu.memory_space<hbm>>
      tpu.enqueue_indirect_dma source(%dma_start3A_384 : memref<10000x64xf32, #tpu.memory_space<hbm>>) target(%dma_start3A_374 : memref<125x64xf32, #tpu.memory_space<vmem>>) offsets(%dma_start3A_377 : memref<125xi32, #tpu.memory_space<vmem>>) semaphore(%arg12 : memref<!tpu.dma_semaphore, #tpu.memory_space<semaphore_mem>>)
      %dma_wait3A_385 = arith.constant 0 : i32
      %dma_wait3A_386 = arith.constant 0 : i32
      %dma_wait3A_387 = arith.constant 0 : i32
      %dma_wait3A_388 = tpu.memref_slice %arg8[%dma_wait3A_385, %dma_wait3A_386, %dma_wait3A_387] : memref<4x125x64xf32, #tpu.memory_space<vmem>> -> memref<1x125x64xf32, #tpu.memory_space<vmem>>
      %dma_wait3A_389 = tpu.memref_squeeze %dma_wait3A_388 : memref<1x125x64xf32, #tpu.memory_space<vmem>> -> memref<125x64xf32, #tpu.memory_space<vmem>>
      %dma_wait3A_390 = arith.constant 0 : i32
      %dma_wait3A_391 = tpu.memref_slice %arg6[%add3A_354, %dma_wait3A_390] : memref<160x125xi32, #tpu.memory_space<vmem>> -> memref<1x125xi32, #tpu.memory_space<vmem>>
      %dma_wait3A_392 = tpu.memref_squeeze %dma_wait3A_391 : memref<1x125xi32, #tpu.memory_space<vmem>> -> memref<125xi32, #tpu.memory_space<vmem>>
      %dma_wait3A_393 = arith.constant 0 : i32
      %dma_wait3A_394 = arith.constant 0 : i32
      %dma_wait3A_395 = tpu.memref_slice %arg2[%arg0, %dma_wait3A_393, %dma_wait3A_394] : memref<2x10000x64xf32, #tpu.memory_space<hbm>> -> memref<1x10000x64xf32, #tpu.memory_space<hbm>>
      %dma_wait3A_396 = tpu.memref_squeeze %dma_wait3A_395 : memref<1x10000x64xf32, #tpu.memory_space<hbm>> -> memref<10000x64xf32, #tpu.memory_space<hbm>>
      %dma_wait3A_397 = arith.constant 0 : i32
      %dma_wait3A_398 = arith.constant 0 : i32
      %dma_wait3A_399 = tpu.memref_slice %dma_wait3A_396[%dma_wait3A_397, %dma_wait3A_398] : memref<10000x64xf32, #tpu.memory_space<hbm>> -> memref<10000x64xf32, #tpu.memory_space<hbm>>
      tpu.wait_indirect_dma semaphore(%arg10 : memref<!tpu.dma_semaphore, #tpu.memory_space<semaphore_mem>>) src(%dma_wait3A_399 : memref<10000x64xf32, #tpu.memory_space<hbm>>) dst(%dma_wait3A_389 : memref<125x64xf32, #tpu.memory_space<vmem>>)
      %dma_start3A_400 = arith.constant 0 : i32
      %dma_start3A_401 = arith.constant 0 : i32
      %dma_start3A_402 = arith.constant 0 : i32
      %dma_start3A_403 = tpu.memref_slice %arg8[%dma_start3A_400, %dma_start3A_401, %dma_start3A_402] : memref<4x125x64xf32, #tpu.memory_space<vmem>> -> memref<1x125x64xf32, #tpu.memory_space<vmem>>
      %dma_start3A_404 = tpu.memref_squeeze %dma_start3A_403 : memref<1x125x64xf32, #tpu.memory_space<vmem>> -> memref<125x64xf32, #tpu.memory_space<vmem>>
      %dma_start3A_405 = arith.constant 0 : i32
      %dma_start3A_406 = tpu.memref_slice %arg7[%add3A_354, %dma_start3A_405] : memref<160x125xi32, #tpu.memory_space<vmem>> -> memref<1x125xi32, #tpu.memory_space<vmem>>
      %dma_start3A_407 = tpu.memref_squeeze %dma_start3A_406 : memref<1x125xi32, #tpu.memory_space<vmem>> -> memref<125xi32, #tpu.memory_space<vmem>>
      %dma_start3A_408 = arith.constant 0 : i32
      %dma_start3A_409 = arith.constant 0 : i32
      %dma_start3A_410 = tpu.memref_slice %arg9[%dma_start3A_408, %dma_start3A_409] : memref<10240x64xf32, #tpu.memory_space<vmem_shared>> -> memref<10240x64xf32, #tpu.memory_space<vmem_shared>>
      tpu.enqueue_indirect_dma source(%dma_start3A_404 : memref<125x64xf32, #tpu.memory_space<vmem>>) target(%dma_start3A_410 : memref<10240x64xf32, #tpu.memory_space<vmem_shared>>) offsets(%dma_start3A_407 : memref<125xi32, #tpu.memory_space<vmem>>) semaphore(%arg14 : memref<!tpu.dma_semaphore, #tpu.memory_space<semaphore_mem>>) {add = true}
      %add3A_411 = arith.constant 3 : i32
      %add3A_412 = arith.addi %add3A_237, %add3A_411 : i32
      %sub3A_413 = arith.constant 2 : i32
      %sub3A_414 = arith.subi %add3A_412, %sub3A_413 : i32
      %dma_wait3A_415 = arith.constant 3 : i32
      %dma_wait3A_416 = arith.constant 0 : i32
      %dma_wait3A_417 = arith.constant 0 : i32
      %dma_wait3A_418 = tpu.memref_slice %arg8[%dma_wait3A_415, %dma_wait3A_416, %dma_wait3A_417] : memref<4x125x64xf32, #tpu.memory_space<vmem>> -> memref<1x125x64xf32, #tpu.memory_space<vmem>>
      %dma_wait3A_419 = tpu.memref_squeeze %dma_wait3A_418 : memref<1x125x64xf32, #tpu.memory_space<vmem>> -> memref<125x64xf32, #tpu.memory_space<vmem>>
      %dma_wait3A_420 = arith.constant 0 : i32
      %dma_wait3A_421 = tpu.memref_slice %arg7[%sub3A_414, %dma_wait3A_420] : memref<160x125xi32, #tpu.memory_space<vmem>> -> memref<1x125xi32, #tpu.memory_space<vmem>>
      %dma_wait3A_422 = tpu.memref_squeeze %dma_wait3A_421 : memref<1x125xi32, #tpu.memory_space<vmem>> -> memref<125xi32, #tpu.memory_space<vmem>>
      %dma_wait3A_423 = arith.constant 0 : i32
      %dma_wait3A_424 = arith.constant 0 : i32
      %dma_wait3A_425 = tpu.memref_slice %arg9[%dma_wait3A_423, %dma_wait3A_424] : memref<10240x64xf32, #tpu.memory_space<vmem_shared>> -> memref<10240x64xf32, #tpu.memory_space<vmem_shared>>
      tpu.wait_indirect_dma semaphore(%arg17 : memref<!tpu.dma_semaphore, #tpu.memory_space<semaphore_mem>>) src(%dma_wait3A_419 : memref<125x64xf32, #tpu.memory_space<vmem>>) dst(%dma_wait3A_425 : memref<10240x64xf32, #tpu.memory_space<vmem_shared>>)
      %add3A_426 = arith.constant 2 : i32
      %add3A_427 = arith.addi %add3A_412, %add3A_426 : i32
      %dma_start3A_428 = arith.constant 3 : i32
      %dma_start3A_429 = arith.constant 0 : i32
      %dma_start3A_430 = arith.constant 0 : i32
      %dma_start3A_431 = tpu.memref_slice %arg8[%dma_start3A_428, %dma_start3A_429, %dma_start3A_430] : memref<4x125x64xf32, #tpu.memory_space<vmem>> -> memref<1x125x64xf32, #tpu.memory_space<vmem>>
      %dma_start3A_432 = tpu.memref_squeeze %dma_start3A_431 : memref<1x125x64xf32, #tpu.memory_space<vmem>> -> memref<125x64xf32, #tpu.memory_space<vmem>>
      %dma_start3A_433 = arith.constant 0 : i32
      %dma_start3A_434 = tpu.memref_slice %arg6[%add3A_427, %dma_start3A_433] : memref<160x125xi32, #tpu.memory_space<vmem>> -> memref<1x125xi32, #tpu.memory_space<vmem>>
      %dma_start3A_435 = tpu.memref_squeeze %dma_start3A_434 : memref<1x125xi32, #tpu.memory_space<vmem>> -> memref<125xi32, #tpu.memory_space<vmem>>
      %dma_start3A_436 = arith.constant 0 : i32
      %dma_start3A_437 = arith.constant 0 : i32
      %dma_start3A_438 = tpu.memref_slice %arg2[%arg0, %dma_start3A_436, %dma_start3A_437] : memref<2x10000x64xf32, #tpu.memory_space<hbm>> -> memref<1x10000x64xf32, #tpu.memory_space<hbm>>
      %dma_start3A_439 = tpu.memref_squeeze %dma_start3A_438 : memref<1x10000x64xf32, #tpu.memory_space<hbm>> -> memref<10000x64xf32, #tpu.memory_space<hbm>>
      %dma_start3A_440 = arith.constant 0 : i32
      %dma_start3A_441 = arith.constant 0 : i32
      %dma_start3A_442 = tpu.memref_slice %dma_start3A_439[%dma_start3A_440, %dma_start3A_441] : memref<10000x64xf32, #tpu.memory_space<hbm>> -> memref<10000x64xf32, #tpu.memory_space<hbm>>
      tpu.enqueue_indirect_dma source(%dma_start3A_442 : memref<10000x64xf32, #tpu.memory_space<hbm>>) target(%dma_start3A_432 : memref<125x64xf32, #tpu.memory_space<vmem>>) offsets(%dma_start3A_435 : memref<125xi32, #tpu.memory_space<vmem>>) semaphore(%arg13 : memref<!tpu.dma_semaphore, #tpu.memory_space<semaphore_mem>>)
      %dma_wait3A_443 = arith.constant 1 : i32
      %dma_wait3A_444 = arith.constant 0 : i32
      %dma_wait3A_445 = arith.constant 0 : i32
      %dma_wait3A_446 = tpu.memref_slice %arg8[%dma_wait3A_443, %dma_wait3A_444, %dma_wait3A_445] : memref<4x125x64xf32, #tpu.memory_space<vmem>> -> memref<1x125x64xf32, #tpu.memory_space<vmem>>
      %dma_wait3A_447 = tpu.memref_squeeze %dma_wait3A_446 : memref<1x125x64xf32, #tpu.memory_space<vmem>> -> memref<125x64xf32, #tpu.memory_space<vmem>>
      %dma_wait3A_448 = arith.constant 0 : i32
      %dma_wait3A_449 = tpu.memref_slice %arg6[%add3A_412, %dma_wait3A_448] : memref<160x125xi32, #tpu.memory_space<vmem>> -> memref<1x125xi32, #tpu.memory_space<vmem>>
      %dma_wait3A_450 = tpu.memref_squeeze %dma_wait3A_449 : memref<1x125xi32, #tpu.memory_space<vmem>> -> memref<125xi32, #tpu.memory_space<vmem>>
      %dma_wait3A_451 = arith.constant 0 : i32
      %dma_wait3A_452 = arith.constant 0 : i32
      %dma_wait3A_453 = tpu.memref_slice %arg2[%arg0, %dma_wait3A_451, %dma_wait3A_452] : memref<2x10000x64xf32, #tpu.memory_space<hbm>> -> memref<1x10000x64xf32, #tpu.memory_space<hbm>>
      %dma_wait3A_454 = tpu.memref_squeeze %dma_wait3A_453 : memref<1x10000x64xf32, #tpu.memory_space<hbm>> -> memref<10000x64xf32, #tpu.memory_space<hbm>>
      %dma_wait3A_455 = arith.constant 0 : i32
      %dma_wait3A_456 = arith.constant 0 : i32
      %dma_wait3A_457 = tpu.memref_slice %dma_wait3A_454[%dma_wait3A_455, %dma_wait3A_456] : memref<10000x64xf32, #tpu.memory_space<hbm>> -> memref<10000x64xf32, #tpu.memory_space<hbm>>
      tpu.wait_indirect_dma semaphore(%arg11 : memref<!tpu.dma_semaphore, #tpu.memory_space<semaphore_mem>>) src(%dma_wait3A_457 : memref<10000x64xf32, #tpu.memory_space<hbm>>) dst(%dma_wait3A_447 : memref<125x64xf32, #tpu.memory_space<vmem>>)
      %dma_start3A_458 = arith.constant 1 : i32
      %dma_start3A_459 = arith.constant 0 : i32
      %dma_start3A_460 = arith.constant 0 : i32
      %dma_start3A_461 = tpu.memref_slice %arg8[%dma_start3A_458, %dma_start3A_459, %dma_start3A_460] : memref<4x125x64xf32, #tpu.memory_space<vmem>> -> memref<1x125x64xf32, #tpu.memory_space<vmem>>
      %dma_start3A_462 = tpu.memref_squeeze %dma_start3A_461 : memref<1x125x64xf32, #tpu.memory_space<vmem>> -> memref<125x64xf32, #tpu.memory_space<vmem>>
      %dma_start3A_463 = arith.constant 0 : i32
      %dma_start3A_464 = tpu.memref_slice %arg7[%add3A_412, %dma_start3A_463] : memref<160x125xi32, #tpu.memory_space<vmem>> -> memref<1x125xi32, #tpu.memory_space<vmem>>
      %dma_start3A_465 = tpu.memref_squeeze %dma_start3A_464 : memref<1x125xi32, #tpu.memory_space<vmem>> -> memref<125xi32, #tpu.memory_space<vmem>>
      %dma_start3A_466 = arith.constant 0 : i32
      %dma_start3A_467 = arith.constant 0 : i32
      %dma_start3A_468 = tpu.memref_slice %arg9[%dma_start3A_466, %dma_start3A_467] : memref<10240x64xf32, #tpu.memory_space<vmem_shared>> -> memref<10240x64xf32, #tpu.memory_space<vmem_shared>>
      tpu.enqueue_indirect_dma source(%dma_start3A_462 : memref<125x64xf32, #tpu.memory_space<vmem>>) target(%dma_start3A_468 : memref<10240x64xf32, #tpu.memory_space<vmem_shared>>) offsets(%dma_start3A_465 : memref<125xi32, #tpu.memory_space<vmem>>) semaphore(%arg15 : memref<!tpu.dma_semaphore, #tpu.memory_space<semaphore_mem>>) {add = true}
    }
    %scan3A_124 = arith.constant 39 : i32
    %dma_wait3A_125 = arith.constant 0 : i32
    %dma_wait3A_126 = arith.constant 156 : i32
    %dma_wait3A_127 = arith.constant 0 : i32
    %dma_wait3A_128 = arith.constant 0 : i32
    %dma_wait3A_129 = tpu.memref_slice %arg8[%dma_wait3A_125, %dma_wait3A_127, %dma_wait3A_128] : memref<4x125x64xf32, #tpu.memory_space<vmem>> -> memref<1x125x64xf32, #tpu.memory_space<vmem>>
    %dma_wait3A_130 = tpu.memref_squeeze %dma_wait3A_129 : memref<1x125x64xf32, #tpu.memory_space<vmem>> -> memref<125x64xf32, #tpu.memory_space<vmem>>
    %dma_wait3A_131 = arith.constant 0 : i32
    %dma_wait3A_132 = tpu.memref_slice %arg7[%dma_wait3A_126, %dma_wait3A_131] : memref<160x125xi32, #tpu.memory_space<vmem>> -> memref<1x125xi32, #tpu.memory_space<vmem>>
    %dma_wait3A_133 = tpu.memref_squeeze %dma_wait3A_132 : memref<1x125xi32, #tpu.memory_space<vmem>> -> memref<125xi32, #tpu.memory_space<vmem>>
    %dma_wait3A_134 = arith.constant 0 : i32
    %dma_wait3A_135 = arith.constant 0 : i32
    %dma_wait3A_136 = tpu.memref_slice %arg9[%dma_wait3A_134, %dma_wait3A_135] : memref<10240x64xf32, #tpu.memory_space<vmem_shared>> -> memref<10240x64xf32, #tpu.memory_space<vmem_shared>>
    tpu.wait_indirect_dma semaphore(%arg14 : memref<!tpu.dma_semaphore, #tpu.memory_space<semaphore_mem>>) src(%dma_wait3A_130 : memref<125x64xf32, #tpu.memory_space<vmem>>) dst(%dma_wait3A_136 : memref<10240x64xf32, #tpu.memory_space<vmem_shared>>)
    %dma_wait3A_137 = arith.constant 158 : i32
    %dma_wait3A_138 = arith.constant 2 : i32
    %dma_wait3A_139 = arith.constant 0 : i32
    %dma_wait3A_140 = arith.constant 0 : i32
    %dma_wait3A_141 = tpu.memref_slice %arg8[%dma_wait3A_138, %dma_wait3A_139, %dma_wait3A_140] : memref<4x125x64xf32, #tpu.memory_space<vmem>> -> memref<1x125x64xf32, #tpu.memory_space<vmem>>
    %dma_wait3A_142 = tpu.memref_squeeze %dma_wait3A_141 : memref<1x125x64xf32, #tpu.memory_space<vmem>> -> memref<125x64xf32, #tpu.memory_space<vmem>>
    %dma_wait3A_143 = arith.constant 0 : i32
    %dma_wait3A_144 = tpu.memref_slice %arg6[%dma_wait3A_137, %dma_wait3A_143] : memref<160x125xi32, #tpu.memory_space<vmem>> -> memref<1x125xi32, #tpu.memory_space<vmem>>
    %dma_wait3A_145 = tpu.memref_squeeze %dma_wait3A_144 : memref<1x125xi32, #tpu.memory_space<vmem>> -> memref<125xi32, #tpu.memory_space<vmem>>
    %dma_wait3A_146 = arith.constant 0 : i32
    %dma_wait3A_147 = arith.constant 0 : i32
    %dma_wait3A_148 = tpu.memref_slice %arg2[%arg0, %dma_wait3A_146, %dma_wait3A_147] : memref<2x10000x64xf32, #tpu.memory_space<hbm>> -> memref<1x10000x64xf32, #tpu.memory_space<hbm>>
    %dma_wait3A_149 = tpu.memref_squeeze %dma_wait3A_148 : memref<1x10000x64xf32, #tpu.memory_space<hbm>> -> memref<10000x64xf32, #tpu.memory_space<hbm>>
    %dma_wait3A_150 = arith.constant 0 : i32
    %dma_wait3A_151 = arith.constant 0 : i32
    %dma_wait3A_152 = tpu.memref_slice %dma_wait3A_149[%dma_wait3A_150, %dma_wait3A_151] : memref<10000x64xf32, #tpu.memory_space<hbm>> -> memref<10000x64xf32, #tpu.memory_space<hbm>>
    tpu.wait_indirect_dma semaphore(%arg12 : memref<!tpu.dma_semaphore, #tpu.memory_space<semaphore_mem>>) src(%dma_wait3A_152 : memref<10000x64xf32, #tpu.memory_space<hbm>>) dst(%dma_wait3A_142 : memref<125x64xf32, #tpu.memory_space<vmem>>)
    %dma_start3A_153 = arith.constant 2 : i32
    %dma_start3A_154 = arith.constant 158 : i32
    %dma_start3A_155 = arith.constant 0 : i32
    %dma_start3A_156 = arith.constant 0 : i32
    %dma_start3A_157 = tpu.memref_slice %arg8[%dma_start3A_153, %dma_start3A_155, %dma_start3A_156] : memref<4x125x64xf32, #tpu.memory_space<vmem>> -> memref<1x125x64xf32, #tpu.memory_space<vmem>>
    %dma_start3A_158 = tpu.memref_squeeze %dma_start3A_157 : memref<1x125x64xf32, #tpu.memory_space<vmem>> -> memref<125x64xf32, #tpu.memory_space<vmem>>
    %dma_start3A_159 = arith.constant 0 : i32
    %dma_start3A_160 = tpu.memref_slice %arg7[%dma_start3A_154, %dma_start3A_159] : memref<160x125xi32, #tpu.memory_space<vmem>> -> memref<1x125xi32, #tpu.memory_space<vmem>>
    %dma_start3A_161 = tpu.memref_squeeze %dma_start3A_160 : memref<1x125xi32, #tpu.memory_space<vmem>> -> memref<125xi32, #tpu.memory_space<vmem>>
    %dma_start3A_162 = arith.constant 0 : i32
    %dma_start3A_163 = arith.constant 0 : i32
    %dma_start3A_164 = tpu.memref_slice %arg9[%dma_start3A_162, %dma_start3A_163] : memref<10240x64xf32, #tpu.memory_space<vmem_shared>> -> memref<10240x64xf32, #tpu.memory_space<vmem_shared>>
    tpu.enqueue_indirect_dma source(%dma_start3A_158 : memref<125x64xf32, #tpu.memory_space<vmem>>) target(%dma_start3A_164 : memref<10240x64xf32, #tpu.memory_space<vmem_shared>>) offsets(%dma_start3A_161 : memref<125xi32, #tpu.memory_space<vmem>>) semaphore(%arg16 : memref<!tpu.dma_semaphore, #tpu.memory_space<semaphore_mem>>) {add = true}
    %dma_wait3A_165 = arith.constant 1 : i32
    %dma_wait3A_166 = arith.constant 157 : i32
    %dma_wait3A_167 = arith.constant 0 : i32
    %dma_wait3A_168 = arith.constant 0 : i32
    %dma_wait3A_169 = tpu.memref_slice %arg8[%dma_wait3A_165, %dma_wait3A_167, %dma_wait3A_168] : memref<4x125x64xf32, #tpu.memory_space<vmem>> -> memref<1x125x64xf32, #tpu.memory_space<vmem>>
    %dma_wait3A_170 = tpu.memref_squeeze %dma_wait3A_169 : memref<1x125x64xf32, #tpu.memory_space<vmem>> -> memref<125x64xf32, #tpu.memory_space<vmem>>
    %dma_wait3A_171 = arith.constant 0 : i32
    %dma_wait3A_172 = tpu.memref_slice %arg7[%dma_wait3A_166, %dma_wait3A_171] : memref<160x125xi32, #tpu.memory_space<vmem>> -> memref<1x125xi32, #tpu.memory_space<vmem>>
    %dma_wait3A_173 = tpu.memref_squeeze %dma_wait3A_172 : memref<1x125xi32, #tpu.memory_space<vmem>> -> memref<125xi32, #tpu.memory_space<vmem>>
    %dma_wait3A_174 = arith.constant 0 : i32
    %dma_wait3A_175 = arith.constant 0 : i32
    %dma_wait3A_176 = tpu.memref_slice %arg9[%dma_wait3A_174, %dma_wait3A_175] : memref<10240x64xf32, #tpu.memory_space<vmem_shared>> -> memref<10240x64xf32, #tpu.memory_space<vmem_shared>>
    tpu.wait_indirect_dma semaphore(%arg15 : memref<!tpu.dma_semaphore, #tpu.memory_space<semaphore_mem>>) src(%dma_wait3A_170 : memref<125x64xf32, #tpu.memory_space<vmem>>) dst(%dma_wait3A_176 : memref<10240x64xf32, #tpu.memory_space<vmem_shared>>)
    %dma_wait3A_177 = arith.constant 159 : i32
    %dma_wait3A_178 = arith.constant 3 : i32
    %dma_wait3A_179 = arith.constant 0 : i32
    %dma_wait3A_180 = arith.constant 0 : i32
    %dma_wait3A_181 = tpu.memref_slice %arg8[%dma_wait3A_178, %dma_wait3A_179, %dma_wait3A_180] : memref<4x125x64xf32, #tpu.memory_space<vmem>> -> memref<1x125x64xf32, #tpu.memory_space<vmem>>
    %dma_wait3A_182 = tpu.memref_squeeze %dma_wait3A_181 : memref<1x125x64xf32, #tpu.memory_space<vmem>> -> memref<125x64xf32, #tpu.memory_space<vmem>>
    %dma_wait3A_183 = arith.constant 0 : i32
    %dma_wait3A_184 = tpu.memref_slice %arg6[%dma_wait3A_177, %dma_wait3A_183] : memref<160x125xi32, #tpu.memory_space<vmem>> -> memref<1x125xi32, #tpu.memory_space<vmem>>
    %dma_wait3A_185 = tpu.memref_squeeze %dma_wait3A_184 : memref<1x125xi32, #tpu.memory_space<vmem>> -> memref<125xi32, #tpu.memory_space<vmem>>
    %dma_wait3A_186 = arith.constant 0 : i32
    %dma_wait3A_187 = arith.constant 0 : i32
    %dma_wait3A_188 = tpu.memref_slice %arg2[%arg0, %dma_wait3A_186, %dma_wait3A_187] : memref<2x10000x64xf32, #tpu.memory_space<hbm>> -> memref<1x10000x64xf32, #tpu.memory_space<hbm>>
    %dma_wait3A_189 = tpu.memref_squeeze %dma_wait3A_188 : memref<1x10000x64xf32, #tpu.memory_space<hbm>> -> memref<10000x64xf32, #tpu.memory_space<hbm>>
    %dma_wait3A_190 = arith.constant 0 : i32
    %dma_wait3A_191 = arith.constant 0 : i32
    %dma_wait3A_192 = tpu.memref_slice %dma_wait3A_189[%dma_wait3A_190, %dma_wait3A_191] : memref<10000x64xf32, #tpu.memory_space<hbm>> -> memref<10000x64xf32, #tpu.memory_space<hbm>>
    tpu.wait_indirect_dma semaphore(%arg13 : memref<!tpu.dma_semaphore, #tpu.memory_space<semaphore_mem>>) src(%dma_wait3A_192 : memref<10000x64xf32, #tpu.memory_space<hbm>>) dst(%dma_wait3A_182 : memref<125x64xf32, #tpu.memory_space<vmem>>)
    %dma_start3A_193 = arith.constant 3 : i32
    %dma_start3A_194 = arith.constant 159 : i32
    %dma_start3A_195 = arith.constant 0 : i32
    %dma_start3A_196 = arith.constant 0 : i32
    %dma_start3A_197 = tpu.memref_slice %arg8[%dma_start3A_193, %dma_start3A_195, %dma_start3A_196] : memref<4x125x64xf32, #tpu.memory_space<vmem>> -> memref<1x125x64xf32, #tpu.memory_space<vmem>>
    %dma_start3A_198 = tpu.memref_squeeze %dma_start3A_197 : memref<1x125x64xf32, #tpu.memory_space<vmem>> -> memref<125x64xf32, #tpu.memory_space<vmem>>
    %dma_start3A_199 = arith.constant 0 : i32
    %dma_start3A_200 = tpu.memref_slice %arg7[%dma_start3A_194, %dma_start3A_199] : memref<160x125xi32, #tpu.memory_space<vmem>> -> memref<1x125xi32, #tpu.memory_space<vmem>>
    %dma_start3A_201 = tpu.memref_squeeze %dma_start3A_200 : memref<1x125xi32, #tpu.memory_space<vmem>> -> memref<125xi32, #tpu.memory_space<vmem>>
    %dma_start3A_202 = arith.constant 0 : i32
    %dma_start3A_203 = arith.constant 0 : i32
    %dma_start3A_204 = tpu.memref_slice %arg9[%dma_start3A_202, %dma_start3A_203] : memref<10240x64xf32, #tpu.memory_space<vmem_shared>> -> memref<10240x64xf32, #tpu.memory_space<vmem_shared>>
    tpu.enqueue_indirect_dma source(%dma_start3A_198 : memref<125x64xf32, #tpu.memory_space<vmem>>) target(%dma_start3A_204 : memref<10240x64xf32, #tpu.memory_space<vmem_shared>>) offsets(%dma_start3A_201 : memref<125xi32, #tpu.memory_space<vmem>>) semaphore(%arg17 : memref<!tpu.dma_semaphore, #tpu.memory_space<semaphore_mem>>) {add = true}
    %dma_wait3A_205 = arith.constant 2 : i32
    %dma_wait3A_206 = arith.constant 158 : i32
    %dma_wait3A_207 = arith.constant 0 : i32
    %dma_wait3A_208 = arith.constant 0 : i32
    %dma_wait3A_209 = tpu.memref_slice %arg8[%dma_wait3A_205, %dma_wait3A_207, %dma_wait3A_208] : memref<4x125x64xf32, #tpu.memory_space<vmem>> -> memref<1x125x64xf32, #tpu.memory_space<vmem>>
    %dma_wait3A_210 = tpu.memref_squeeze %dma_wait3A_209 : memref<1x125x64xf32, #tpu.memory_space<vmem>> -> memref<125x64xf32, #tpu.memory_space<vmem>>
    %dma_wait3A_211 = arith.constant 0 : i32
    %dma_wait3A_212 = tpu.memref_slice %arg7[%dma_wait3A_206, %dma_wait3A_211] : memref<160x125xi32, #tpu.memory_space<vmem>> -> memref<1x125xi32, #tpu.memory_space<vmem>>
    %dma_wait3A_213 = tpu.memref_squeeze %dma_wait3A_212 : memref<1x125xi32, #tpu.memory_space<vmem>> -> memref<125xi32, #tpu.memory_space<vmem>>
    %dma_wait3A_214 = arith.constant 0 : i32
    %dma_wait3A_215 = arith.constant 0 : i32
    %dma_wait3A_216 = tpu.memref_slice %arg9[%dma_wait3A_214, %dma_wait3A_215] : memref<10240x64xf32, #tpu.memory_space<vmem_shared>> -> memref<10240x64xf32, #tpu.memory_space<vmem_shared>>
    tpu.wait_indirect_dma semaphore(%arg16 : memref<!tpu.dma_semaphore, #tpu.memory_space<semaphore_mem>>) src(%dma_wait3A_210 : memref<125x64xf32, #tpu.memory_space<vmem>>) dst(%dma_wait3A_216 : memref<10240x64xf32, #tpu.memory_space<vmem_shared>>)
    %dma_wait3A_217 = arith.constant 3 : i32
    %dma_wait3A_218 = arith.constant 159 : i32
    %dma_wait3A_219 = arith.constant 0 : i32
    %dma_wait3A_220 = arith.constant 0 : i32
    %dma_wait3A_221 = tpu.memref_slice %arg8[%dma_wait3A_217, %dma_wait3A_219, %dma_wait3A_220] : memref<4x125x64xf32, #tpu.memory_space<vmem>> -> memref<1x125x64xf32, #tpu.memory_space<vmem>>
    %dma_wait3A_222 = tpu.memref_squeeze %dma_wait3A_221 : memref<1x125x64xf32, #tpu.memory_space<vmem>> -> memref<125x64xf32, #tpu.memory_space<vmem>>
    %dma_wait3A_223 = arith.constant 0 : i32
    %dma_wait3A_224 = tpu.memref_slice %arg7[%dma_wait3A_218, %dma_wait3A_223] : memref<160x125xi32, #tpu.memory_space<vmem>> -> memref<1x125xi32, #tpu.memory_space<vmem>>
    %dma_wait3A_225 = tpu.memref_squeeze %dma_wait3A_224 : memref<1x125xi32, #tpu.memory_space<vmem>> -> memref<125xi32, #tpu.memory_space<vmem>>
    %dma_wait3A_226 = arith.constant 0 : i32
    %dma_wait3A_227 = arith.constant 0 : i32
    %dma_wait3A_228 = tpu.memref_slice %arg9[%dma_wait3A_226, %dma_wait3A_227] : memref<10240x64xf32, #tpu.memory_space<vmem_shared>> -> memref<10240x64xf32, #tpu.memory_space<vmem_shared>>
    tpu.wait_indirect_dma semaphore(%arg17 : memref<!tpu.dma_semaphore, #tpu.memory_space<semaphore_mem>>) src(%dma_wait3A_222 : memref<125x64xf32, #tpu.memory_space<vmem>>) dst(%dma_wait3A_228 : memref<10240x64xf32, #tpu.memory_space<vmem_shared>>)
    %barrier3A_229 = arith.constant 0 : index
    tpu.barrier barrier_id(%barrier3A_229)
    %mul3A_230 = arith.constant 640 : i32
    %mul3A_231 = arith.muli %arg1, %mul3A_230 : i32
    %mul3A_232 = arith.constant 640 : i32
    %mul3A_233 = arith.muli %arg1, %mul3A_232 : i32
    "tpu.region"() ({
      %run_scoped3A_234 = tpu.sem_alloc : memref<!tpu.dma_semaphore, #tpu.memory_space<semaphore_mem>>
      %dma_start3A_235 = arith.constant 0 : i32
      %dma_start3A_236 = tpu.memref_slice %arg5[%arg0, %mul3A_233, %dma_start3A_235] : memref<2x10240x64xf32, #tpu.memory_space<hbm>> -> memref<1x640x64xf32, #tpu.memory_space<hbm>>
      %dma_start3A_237 = tpu.memref_squeeze %dma_start3A_236 : memref<1x640x64xf32, #tpu.memory_space<hbm>> -> memref<640x64xf32, #tpu.memory_space<hbm>>
      %dma_start3A_238 = arith.constant 0 : i32
      %dma_start3A_239 = tpu.memref_slice %arg9[%mul3A_231, %dma_start3A_238] : memref<10240x64xf32, #tpu.memory_space<vmem_shared>> -> memref<640x64xf32, #tpu.memory_space<vmem_shared>>
      tpu.enqueue_dma source(%dma_start3A_239 : memref<640x64xf32, #tpu.memory_space<vmem_shared>>) target(%dma_start3A_237 : memref<640x64xf32, #tpu.memory_space<hbm>>) target_semaphore(%run_scoped3A_234 : memref<!tpu.dma_semaphore, #tpu.memory_space<semaphore_mem>>)
      %dma_wait3A_240 = arith.constant 0 : i32
      %dma_wait3A_241 = tpu.memref_slice %arg5[%arg0, %mul3A_233, %dma_wait3A_240] : memref<2x10240x64xf32, #tpu.memory_space<hbm>> -> memref<1x640x64xf32, #tpu.memory_space<hbm>>
      %dma_wait3A_242 = tpu.memref_squeeze %dma_wait3A_241 : memref<1x640x64xf32, #tpu.memory_space<hbm>> -> memref<640x64xf32, #tpu.memory_space<hbm>>
      %dma_wait3A_243 = arith.constant 0 : i32
      %dma_wait3A_244 = tpu.memref_slice %arg9[%mul3A_231, %dma_wait3A_243] : memref<10240x64xf32, #tpu.memory_space<vmem_shared>> -> memref<640x64xf32, #tpu.memory_space<vmem_shared>>
      tpu.wait_dma2 semaphore(%run_scoped3A_234 : memref<!tpu.dma_semaphore, #tpu.memory_space<semaphore_mem>>) src(%dma_wait3A_244 : memref<640x64xf32, #tpu.memory_space<vmem_shared>>) dst(%dma_wait3A_242 : memref<640x64xf32, #tpu.memory_space<hbm>>)
      tpu.yield
    }) : () -> ()
    return
  }
}

module attributes {stable_mosaic.version = 14 : i64} {
  func.func @_scale_body(%arg0: i32, %arg1: memref<2000x128xf32, #tpu.memory_space<vmem>>, %arg2: memref<2x2000x16xf32, #tpu.memory_space<vmem>>, %arg3: memref<2x2000x64xf32, #tpu.memory_space<vmem>>) attributes {dimension_semantics = [#tpu.dimension_semantics<arbitrary>], iteration_bounds = array<i64: 5>, scalar_prefetch = 0 : i64, scratch_operands = 0 : i64, tpu.core_type = #tpu.core_type<tc>, window_params = [{transform_indices = @transform_0, window_bounds = array<i64: 2000, 128>}, {transform_indices = @transform_1, window_bounds = array<i64: 2, 2000, 16>}, {transform_indices = @transform_2, window_bounds = array<i64: 2, 2000, 64>}]} {
    %get3A = arith.constant 0 : index
    %get3A_0 = arith.constant 0 : index
    %get3A_1 = arith.constant 0 : index
    %get3A_2 = vector.load %arg2[%get3A, %get3A_0, %get3A_1] : memref<2x2000x16xf32, #tpu.memory_space<vmem>>, vector<1x2000x1xf32>
    %get3A_3 = vector.shape_cast %get3A_2 : vector<1x2000x1xf32> to vector<2000x1xf32>
    %get3A_4 = arith.constant 1 : index
    %get3A_5 = arith.constant 0 : index
    %get3A_6 = arith.constant 0 : index
    %get3A_7 = vector.load %arg2[%get3A_4, %get3A_5, %get3A_6] : memref<2x2000x16xf32, #tpu.memory_space<vmem>>, vector<1x2000x1xf32>
    %get3A_8 = vector.shape_cast %get3A_7 : vector<1x2000x1xf32> to vector<2000x1xf32>
    %add3A = arith.addf %get3A_3, %get3A_8 : vector<2000x1xf32>
    %max3A = arith.constant 1.000000e+00 : f32
    %max3A_9 = vector.broadcast %max3A : f32 to vector<2000x1xf32>
    %max3A_10 = arith.maximumf %add3A, %max3A_9 : vector<2000x1xf32>
    %add3A_11 = arith.constant 1.000000e+00 : f32
    %add3A_12 = vector.broadcast %add3A_11 : f32 to vector<2000x1xf32>
    %add3A_13 = arith.addf %max3A_10, %add3A_12 : vector<2000x1xf32>
    %rsqrt3A = math.rsqrt %add3A_13 : vector<2000x1xf32>
    %get3A_14 = arith.constant 0 : index
    %get3A_15 = arith.constant 0 : index
    %get3A_16 = vector.load %arg1[%get3A_14, %get3A_15] : memref<2000x128xf32, #tpu.memory_space<vmem>>, vector<2000x128xf32>
    %mul3A = vector.broadcast %rsqrt3A : vector<2000x1xf32> to vector<2000x128xf32>
    %mul3A_17 = arith.mulf %get3A_16, %mul3A : vector<2000x128xf32>
    %slice3A = vector.extract_strided_slice %mul3A_17 {offsets = [0, 0], sizes = [2000, 64], strides = [1, 1]} : vector<2000x128xf32> to vector<2000x64xf32>
    %swap3A = arith.constant 0 : index
    %swap3A_18 = arith.constant 0 : index
    %swap3A_19 = arith.constant 0 : index
    %swap3A_20 = vector.load %arg3[%swap3A, %swap3A_18, %swap3A_19] : memref<2x2000x64xf32, #tpu.memory_space<vmem>>, vector<1x2000x64xf32>
    %swap3A_21 = vector.shape_cast %swap3A_20 : vector<1x2000x64xf32> to vector<2000x64xf32>
    %swap3A_22 = vector.shape_cast %slice3A : vector<2000x64xf32> to vector<1x2000x64xf32>
    tpu.vector_store %arg3[%swap3A, %swap3A_18, %swap3A_19], %swap3A_22 {strides = array<i32>} : memref<2x2000x64xf32, #tpu.memory_space<vmem>>, vector<1x2000x64xf32>,
    %slice3A_23 = vector.extract_strided_slice %mul3A_17 {offsets = [0, 64], sizes = [2000, 64], strides = [1, 1]} : vector<2000x128xf32> to vector<2000x64xf32>
    %swap3A_24 = arith.constant 1 : index
    %swap3A_25 = arith.constant 0 : index
    %swap3A_26 = arith.constant 0 : index
    %swap3A_27 = vector.load %arg3[%swap3A_24, %swap3A_25, %swap3A_26] : memref<2x2000x64xf32, #tpu.memory_space<vmem>>, vector<1x2000x64xf32>
    %swap3A_28 = vector.shape_cast %swap3A_27 : vector<1x2000x64xf32> to vector<2000x64xf32>
    %swap3A_29 = vector.shape_cast %slice3A_23 : vector<2000x64xf32> to vector<1x2000x64xf32>
    tpu.vector_store %arg3[%swap3A_24, %swap3A_25, %swap3A_26], %swap3A_29 {strides = array<i32>} : memref<2x2000x64xf32, #tpu.memory_space<vmem>>, vector<1x2000x64xf32>,
    return
  }
  func.func @transform_0(%arg0: i32) -> (i32, i32) {
    %c0_i32 = arith.constant 0 : i32
    %c0_i32_0 = arith.constant 0 : i32
    return %arg0, %c0_i32 : i32, i32
  }
  func.func @transform_1(%arg0: i32) -> (i32, i32, i32) {
    %c0_i32 = arith.constant 0 : i32
    %c0_i32_0 = arith.constant 0 : i32
    %c0_i32_1 = arith.constant 0 : i32
    return %c0_i32, %arg0, %c0_i32_0 : i32, i32, i32
  }
  func.func @transform_2(%arg0: i32) -> (i32, i32, i32) {
    %c0_i32 = arith.constant 0 : i32
    %c0_i32_0 = arith.constant 0 : i32
    %c0_i32_1 = arith.constant 0 : i32
    return %c0_i32, %arg0, %c0_i32_0 : i32, i32, i32
  }
}

module attributes {stable_mosaic.version = 14 : i64} {
  func.func @_final_body(%arg0: i32, %arg1: memref<2000x128xf32, #tpu.memory_space<vmem>>, %arg2: memref<2x2000x64xf32, #tpu.memory_space<vmem>>, %arg3: memref<2x2000x16xf32, #tpu.memory_space<vmem>>, %arg4: memref<2000x128xf32, #tpu.memory_space<vmem>>) attributes {dimension_semantics = [#tpu.dimension_semantics<arbitrary>], iteration_bounds = array<i64: 5>, scalar_prefetch = 0 : i64, scratch_operands = 0 : i64, tpu.core_type = #tpu.core_type<tc>, window_params = [{transform_indices = @transform_0, window_bounds = array<i64: 2000, 128>}, {transform_indices = @transform_1, window_bounds = array<i64: 2, 2000, 64>}, {transform_indices = @transform_2, window_bounds = array<i64: 2, 2000, 16>}, {transform_indices = @transform_3, window_bounds = array<i64: 2000, 128>}]} {
    %get3A = arith.constant 0 : index
    %get3A_0 = arith.constant 0 : index
    %get3A_1 = arith.constant 0 : index
    %get3A_2 = vector.load %arg3[%get3A, %get3A_0, %get3A_1] : memref<2x2000x16xf32, #tpu.memory_space<vmem>>, vector<1x2000x1xf32>
    %get3A_3 = vector.shape_cast %get3A_2 : vector<1x2000x1xf32> to vector<2000x1xf32>
    %get3A_4 = arith.constant 1 : index
    %get3A_5 = arith.constant 0 : index
    %get3A_6 = arith.constant 0 : index
    %get3A_7 = vector.load %arg3[%get3A_4, %get3A_5, %get3A_6] : memref<2x2000x16xf32, #tpu.memory_space<vmem>>, vector<1x2000x1xf32>
    %get3A_8 = vector.shape_cast %get3A_7 : vector<1x2000x1xf32> to vector<2000x1xf32>
    %add3A = arith.addf %get3A_3, %get3A_8 : vector<2000x1xf32>
    %max3A = arith.constant 1.000000e+00 : f32
    %max3A_9 = vector.broadcast %max3A : f32 to vector<2000x1xf32>
    %max3A_10 = arith.maximumf %add3A, %max3A_9 : vector<2000x1xf32>
    %add3A_11 = arith.constant 1.000000e+00 : f32
    %add3A_12 = vector.broadcast %add3A_11 : f32 to vector<2000x1xf32>
    %add3A_13 = arith.addf %max3A_10, %add3A_12 : vector<2000x1xf32>
    %rsqrt3A = math.rsqrt %add3A_13 : vector<2000x1xf32>
    %get3A_14 = arith.constant 0 : index
    %get3A_15 = arith.constant 0 : index
    %get3A_16 = arith.constant 0 : index
    %get3A_17 = vector.load %arg2[%get3A_14, %get3A_15, %get3A_16] : memref<2x2000x64xf32, #tpu.memory_space<vmem>>, vector<1x2000x64xf32>
    %get3A_18 = vector.shape_cast %get3A_17 : vector<1x2000x64xf32> to vector<2000x64xf32>
    %get3A_19 = arith.constant 1 : index
    %get3A_20 = arith.constant 0 : index
    %get3A_21 = arith.constant 0 : index
    %get3A_22 = vector.load %arg2[%get3A_19, %get3A_20, %get3A_21] : memref<2x2000x64xf32, #tpu.memory_space<vmem>>, vector<1x2000x64xf32>
    %get3A_23 = vector.shape_cast %get3A_22 : vector<1x2000x64xf32> to vector<2000x64xf32>
    %concatenate3A = tpu.concatenate %get3A_18, %get3A_23 in 1 : vector<2000x64xf32>, vector<2000x64xf32> -> vector<2000x128xf32>
    %get3A_24 = arith.constant 0 : index
    %get3A_25 = arith.constant 0 : index
    %get3A_26 = vector.load %arg1[%get3A_24, %get3A_25] : memref<2000x128xf32, #tpu.memory_space<vmem>>, vector<2000x128xf32>
    %add3A_27 = arith.addf %get3A_26, %concatenate3A : vector<2000x128xf32>
    %mul3A = vector.broadcast %rsqrt3A : vector<2000x1xf32> to vector<2000x128xf32>
    %mul3A_28 = arith.mulf %add3A_27, %mul3A : vector<2000x128xf32>
    %swap3A = arith.constant 0 : index
    %swap3A_29 = arith.constant 0 : index
    %swap3A_30 = vector.load %arg4[%swap3A, %swap3A_29] : memref<2000x128xf32, #tpu.memory_space<vmem>>, vector<2000x128xf32>
    tpu.vector_store %arg4[%swap3A, %swap3A_29], %mul3A_28 {strides = array<i32>} : memref<2000x128xf32, #tpu.memory_space<vmem>>, vector<2000x128xf32>,
    return
  }
  func.func @transform_0(%arg0: i32) -> (i32, i32) {
    %c0_i32 = arith.constant 0 : i32
    %c0_i32_0 = arith.constant 0 : i32
    return %arg0, %c0_i32 : i32, i32
  }
  func.func @transform_1(%arg0: i32) -> (i32, i32, i32) {
    %c0_i32 = arith.constant 0 : i32
    %c0_i32_0 = arith.constant 0 : i32
    %c0_i32_1 = arith.constant 0 : i32
    return %c0_i32, %arg0, %c0_i32_0 : i32, i32, i32
  }
  func.func @transform_2(%arg0: i32) -> (i32, i32, i32) {
    %c0_i32 = arith.constant 0 : i32
    %c0_i32_0 = arith.constant 0 : i32
    %c0_i32_1 = arith.constant 0 : i32
    return %c0_i32, %arg0, %c0_i32_0 : i32, i32, i32
  }
  func.func @transform_3(%arg0: i32) -> (i32, i32) {
    %c0_i32 = arith.constant 0 : i32
    %c0_i32_0 = arith.constant 0 : i32
    return %arg0, %c0_i32 : i32, i32
  }
}

</mosaic_0001>

<sc_bundles>
// kernel: deg_hist_0.3.cloned.1.call-start
scs
__scs_entry_jumppad:
0x0: {  	(pc) =	sbr.rel $0x88, $3  }
0x1: {  	(tag) =	ssettag $0x0;
	lr =	simm.s32 $0x1  }
0x2: {  	[smem:$0x3F9F] =	sst lr;
	_ =	strace $0xD0000000  }
0x3: {  	_ = 	snop  }
0x4: {  	_ = 	snop  }
0x5: {  	_ = 	snop  }
0x6: {  	_ = 	snop  }
0x7: {  	_ = 	snop  }
__scs_overlays_trampoline_lowered:
0x8: {  	[smem:$0x3FAE] =	sst s0  }
0x9: {  	[smem:$0x3FAF] =	sst s1  }
0xa: {  	[smem:$0x3FB0] =	sst s2  }
0xb: {  	[smem:$0x3FB1] =	sst s3  }
0xc: {  	[smem:$0x3FB2] =	sst s4  }
0xd: {  	[smem:$0x3FB3] =	sst s5  }
0xe: {  	[smem:$0x3FB4] =	sst s6  }
0xf: {  	[smem:$0x3FB5] =	sst s7  }
0x10: {  	[smem:$0x3FB6] =	sst s8  }
0x11: {  	[smem:$0x3FB7] =	sst s9;
	s0 =	simm.s32 @!p0 $0x0  }
0x12: {  	s1 =	sld [smem:$0x3F9D];
	s0 =	simm.s32 @p0 $0x1  }
0x13: {  	[smem:$0x3FB8] =	sst s0;
	s0 =	simm.s32 @!p1 $0x0  }
0x14: {  	s2 =	sld [smem:$0x3F9C];
	s0 =	simm.s32 @p1 $0x1  }
0x15: {  	[smem:$0x3FB9] =	sst s0;
	s0 =	simm.s32 @!p2 $0x0  }
0x16: {  	s3 =	sld [smem:$0x3FDB];
	s0 =	simm.s32 @p2 $0x1  }
0x17: {  	s4 =	simm.s32 $0x1BF5;
	[smem:$0x3FBB] =	sst s0  }
0x18: {  	s0 =	sld [smem:$0x3F9E];
	_ =	swait.ge [sflag:s4], $0x0  }
0x19: {  	s7 =	sld [smem:$0x3F9F]  }
0x1a: {  	s8 =	sadd.s32 $0xFFFFE003, lr  }
0x1b: {  	s9 =	sadd.s32 $0xFFFFFEF7, lr;
	s5 =	simm.s32 $0xFFFFFFFF;
	p2 =	slt.u32 s8, $0xFFFFF086  }
0x1c: {  	p1 =	slt.u32 s9, $0xF7A;
	s5 =	simm.s32 @!p2 $0x0  }
0x1d: {  	s5 =	simm.s32 @p1 $0x1;
	p0 =	seq.s32 s7, s2  }
0x1e: {  	s7 =	smul.u32 @!p0 $0xF7A, s2;
	p2 =	seq.s32 @!p0 s5, $0x0  }
0x1f: {  	s9 =	smul.u32 $0xF7A, s1;
	s8 =	simm.s32 @!p0 $0x1BF5;
	p2 =	por !p2, p0  }
0x20: {  	[sflag:s8] =	ssyncset.s32 @!p0 $0xFFFFF086;
	s6 =	sadd.s32 @!p0 s3, s7;
	s7 =	simm.s32 @!p0 $0x108  }
0x21: {  	s3 =	sadd.s32 s3, s9;
	s6 =	sadd.s32 @!p0 $0x88, s6;
	s7 =	simm.s32 @p2 $0x1082  }
0x22: {  	[simem:s7], [sflag:s8] =	dma.local @!p0 [hbm:s6], $0xF7A  }
0x23: {  	s9 =	sor.u32 $0xD0000000, s2;
	s6 =	simm.s32 $0x108;
	_ =	swait.ge @!p0 [sflag:s8], $0x0  }
0x24: {  	s3 =	sadd.s32 $0x88, s3;
	s6 =	simm.s32 @!p1 $0x1082;
	[sflag:s4] =	ssyncset.s32 $0xFFFFF086  }
0x25: {  	[simem:s6], [sflag:s4] =	dma.local [hbm:s3], $0xF7A  }
0x26: {  	[smem:$0x3F9F] =	sst s1;
	(tag) =	ssettag s2;
	_ =	strace s9  }
0x27: {  	s1 =	sld [smem:$0x3FAF]  }
0x28: {  	s2 =	sld [smem:$0x3FB0]  }
0x29: {  	s4 =	sld [smem:$0x3FB2]  }
0x2a: {  	p0 =	seq.s32 s5, $0x0;
	s5 =	sld [smem:$0x3FB3]  }
0x2b: {  	s6 =	sld [smem:$0x3FB4]  }
0x2c: {  	s7 =	sld [smem:$0x3FB5]  }
0x2d: {  	s3 =	simm.s32 $0x108;
	s8 =	sld [smem:$0x3FB6]  }
0x2e: {  	s3 =	simm.s32 @!p0 $0x1082;
	s9 =	sld [smem:$0x3FB7]  }
0x2f: {  	lr =	sadd.s32 s0, s3;
	s0 =	sld [smem:$0x3FAE]  }
0x30: {  	s3 =	sld [smem:$0x3FB1]  }
0x31: {  	[smem:$0x3FBA] =	sst s10  }
0x32: {  	s10 =	sld [smem:$0x3FB8];
	_ =	sdelay $0x3  }
0x33: {  	p0 =	seq.s32 s10, $0x1;
	s10 =	sld [smem:$0x3FBA];
	_ =	sdelay $0x3  }
0x34: {  	[smem:$0x3FBA] =	sst s10  }
0x35: {  	s10 =	sld [smem:$0x3FB9];
	_ =	sdelay $0x3  }
0x36: {  	p1 =	seq.s32 s10, $0x1;
	s10 =	sld [smem:$0x3FBA];
	_ =	sdelay $0x3  }
0x37: {  	[smem:$0x3FBA] =	sst s10  }
0x38: {  	s10 =	sld [smem:$0x3FBB]  }
0x39: {  	_ = 	snop;
	(pc) =	sbr.ind lr, $3  }
0x3a: {  	_ = 	snop  }
0x3b: {  	_ = 	snop  }
0x3c: {  	p2 =	seq.s32 s10, $0x1;
	s10 =	sld [smem:$0x3FBA]  }
0x3d: {  	_ =	shalt  }
0x3e: {  	_ =	shalt  }
0x3f: {  	_ =	shalt  }
0x40: {  	_ =	shalt  }
0x41: {  	_ =	shalt  }
0x42: {  	_ =	shalt  }
0x43: {  	_ =	shalt  }
0x44: {  	_ =	shalt  }
0x45: {  	_ =	shalt  }
0x46: {  	_ =	shalt  }
0x47: {  	_ =	shalt  }
0x48: {  	_ =	shalt  }
0x49: {  	_ =	shalt  }
0x4a: {  	_ =	shalt  }
0x4b: {  	_ =	shalt  }
0x4c: {  	_ =	shalt  }
0x4d: {  	_ =	shalt  }
0x4e: {  	_ =	shalt  }
0x4f: {  	_ =	shalt  }
0x50: {  	_ =	shalt  }
0x51: {  	_ =	shalt  }
0x52: {  	_ =	shalt  }
0x53: {  	_ =	shalt  }
0x54: {  	_ =	shalt  }
0x55: {  	_ =	shalt  }
0x56: {  	_ =	shalt  }
0x57: {  	_ =	shalt  }
0x58: {  	_ =	shalt  }
0x59: {  	_ =	shalt  }
0x5a: {  	_ =	shalt  }
0x5b: {  	_ =	shalt  }
0x5c: {  	_ =	shalt  }
0x5d: {  	_ =	shalt  }
0x5e: {  	_ =	shalt  }
0x5f: {  	_ =	shalt  }
0x60: {  	_ =	shalt  }
0x61: {  	_ =	shalt  }
0x62: {  	_ =	shalt  }
0x63: {  	_ =	shalt  }
0x64: {  	_ =	shalt  }
0x65: {  	_ =	shalt  }
0x66: {  	_ =	shalt  }
0x67: {  	_ =	shalt  }
0x68: {  	_ =	shalt  }
0x69: {  	_ =	shalt  }
0x6a: {  	_ =	shalt  }
0x6b: {  	_ =	shalt  }
0x6c: {  	_ =	shalt  }
0x6d: {  	_ =	shalt  }
0x6e: {  	_ =	shalt  }
0x6f: {  	_ =	shalt  }
0x70: {  	_ =	shalt  }
0x71: {  	_ =	shalt  }
0x72: {  	_ =	shalt  }
0x73: {  	_ =	shalt  }
0x74: {  	_ =	shalt  }
0x75: {  	_ =	shalt  }
0x76: {  	_ =	shalt  }
0x77: {  	_ =	shalt  }
0x78: {  	_ =	shalt  }
0x79: {  	_ =	shalt  }
0x7a: {  	_ =	shalt  }
0x7b: {  	_ =	shalt  }
0x7c: {  	_ =	shalt  }
0x7d: {  	_ =	shalt  }
0x7e: {  	_ =	shalt  }
0x7f: {  	_ =	shalt  }
0x80: {  	_ =	shalt  }
0x81: {  	_ =	shalt  }
0x82: {  	_ =	shalt  }
0x83: {  	_ =	shalt  }
0x84: {  	_ =	shalt  }
0x85: {  	_ =	shalt  }
0x86: {  	_ =	shalt  }
0x87: {  	_ =	shalt  }
.Lfunc_end0:
.L_simem_size_0:
called_computation_lowered:
.L_overlay_start_0:
0x88: {  	s2 =	sld [smem:$0x3FD9]  }
0x89: {  	s3 =	sld [smem:$0x3FFE];
	_ =	sdelay $0x1  }
0x8a: {  	s1 =	srdreg.scid  }
0x8b: {  	s0 =	sand.u32 $0x1, s1  }
0x8c: {  	s17 =	sshll.u32 s0, $0xA;
	s2 =	sadd.s32 s3, s2  }
0x8d: {  	s2 =	sadd.s32 s2, s17  }
0x8e: {  	[smem:$0x3FC6] =	sst s2  }
0x8f: {  	_ = 	snop  }
0x90: {  	s2 =	sld [smem:$0x3FD0];
	(tm) =	ssettm $0x1  }
0x91: {  	s18 =	sld [smem:$0x3FFB];
	_ =	sdelay $0x3  }
0x92: {  	_ =	strace s18  }
0x93: {  	s3 =	sld [smem:$0x3FFC];
	_ =	sdelay $0x3  }
0x94: {  	_ =	strace s3  }
0x95: {  	s3 =	sld [smem:$0x3FFD];
	_ =	sdelay $0x3  }
0x96: {  	_ =	strace s3  }
0x97: {  	_ =	strace $0x8FFFFFFF  }
0x98: {  	s19 =	sld [smem:$0x3FDB];
	_ =	sdelay $0x1  }
0x99: {  	s4 =	simm.s32 $_scs_section_size  }
0x9a: {  	s5 =	simm.s32 $_size__tile_overlayer_lowered;
	s6 =	simm.s32 $_tile_overlayer_lowered  }
0x9b: {  	s22 =	simm.s32 $0x1BFF;
	s21 =	sshll.u32 s6, $0x1;
	s3 =	sadd.s32 s4, s19  }
0x9c: {  	s7 =	simm.s32 $0x0;
	s20 =	sshll.u32 s5, $0x1;
	s5 =	sadd.s32 s21, s3  }
0x9d: {  	[timem:s7], [sflag:s22] =	dma.local [hbm:s5], s20  }
0x9e: {  	_ =	swait.ge [sflag:s22], s20  }
0x9f: {  	s4 =	ssub.s32 $0x0, s20;
	[sflag:s22] =	ssyncset.done $0x0  }
0xa0: {  	[sflag:s22] =	ssyncadd.s32 s4;
	_ =	sdelay $0x1  }
0xa1: {  	s23 =	simm.s32 $0x1B8B  }
0xa2: {  	_ =	swait.ge [sflag:s23], $0x1  }
0xa3: {  	[sflag:s23] =	ssyncset.done $0x0  }
0xa4: {  	s25 =	simm.s32 $0x1B8E;
	s24 =	sld [smem:$0x3FFE];
	[sflag:s23] =	ssyncadd.s32 $0xFFFFFFFF  }
0xa5: {  	s26 =	simm.s32 $execute0_lowered;
	[smem:$0x3FD2] =	sst s25  }
0xa6: {  	s5 =	sshll.u32 s26, $0x1;
	_ =	strace $0x80000046;
	[dreg:$0x1] =	wrdreg $0xFFFFFFFF  }
0xa7: {  	s28 =	simm.s32 $_size_execute0_lowered;
	s3 =	sadd.s32 s3, s5;
	[dreg:$0x0] =	wrdreg $0x0  }
0xa8: {  	s5 =	sshll.u32 s28, $0x1;
	[dreg:$0x2] =	wrdreg s3  }
0xa9: {  	[dreg:$0x3] =	wrdreg s5  }
0xaa: {  	[dreg:$0x4] =	wrdreg $0xC0  }
0xab: {  	_ =	task [dreg:s7], $0x5FFFF  }
0xac: {  	[dreg:$0x1] =	wrdreg $0xFFFFFFFF  }
0xad: {  	[dreg:$0x0] =	wrdreg $0x60  }
0xae: {  	[dreg:$0x2] =	wrdreg s24  }
0xaf: {  	[dreg:$0x3] =	wrdreg s2  }
0xb0: {  	[dreg:$0x4] =	wrdreg $0x2FD00  }
0xb1: {  	[dreg:$0x5] =	wrdreg $0xA  }
0xb2: {  	_ =	task.clear_ibuf [dreg:s7], $0x6FFFF;
	_ =	strace $0x90000046  }
0xb3: {  	s29 =	simm.s32 $0xA;
	_ =	strace $0x80000048  }
0xb4: {  	_ =	swait.ge [sflag:s29], $0x1  }
0xb5: {  	[sflag:s29] =	ssyncadd.s32 $0xFFFFFFFF  }
0xb6: {  	_ =	strace $0x90000048  }
0xb7: {  	_ =	sfence  }
0xb8: {  	s30 =	sld [smem:$0x0];
	_ =	sdelay $0x2  }
0xb9: {  	s31 =	sshll.u32 s1, $0xD;
	s1 =	sshrl.u32 s1, $0x2  }
0xba: {  	s3 =	sand.u32 $0x4000, s31;
	s1 =	sadd.s32 s1, s30  }
0xbb: {  	s0 =	sor.u32 s3, s0;
	s1 =	sshll.u32 s1, $0x11  }
0xbc: {  	s0 =	sor.u32 s1, s0  }
0xbd: {  	s0 =	sadd.s32 $0x8F2B, s0  }
0xbe: {  	[sflag:s0] =	ssyncadd.remote.s32 $0x1  }
0xbf: {  	_ =	sfence.sel $0xFFFF  }
0xc0: {  	[dreg:$0x0] =	wrdreg $0xFFFFFFFF;
	(pc) =	sbr.abs _section_cstart, $3  }
0xc1: {  	[dreg:$0x1] =	wrdreg $0xFFFFFFFF  }
0xc2: {  	_ =	task.clear_ibuf [dreg:s7], $0x2FFFF;
	_ =	strace $0x9FFFFFFF  }
0xc3: {  	(tm) =	ssettm $0x7FFFFFFF  }
tec
execute0_lowered:
.L_overlay_start_1:
0x0: {  	(tag) =	ssettag $0x1  }
0x1: {  	s5 =	rddreg [dreg:$0x0]  }
0x2: {  	s0 =	srdreg.scid;
	s8 =	rddreg [dreg:$0x1]  }
0x3: {  	s2 =	rddreg [dreg:$0x2];
	s1 =	stileid.u32  }
0x4: {  	s3 =	simm.s32 $0x0;
	s13 =	simm.s32 $0x7D;
	s14 =	simm.s32 $0x80  }
0x5: {  	s15 =	simm.s32 $0x100;
	s16 =	simm.s32 $0x180;
	s17 =	simm.s32 $0x1  }
0x6: {  	s18 =	simm.s32 $0x0;
	s4 =	sand.u32 $0x1, s0;
	s0 =	rddreg [dreg:$0x3]  }
0x7: {  	[smem:$0x7FF] =	sst s3;
	s7 =	smul.u32 $0x2800, s1;
	s31 =	sshll.u32 s1, $0x6  }
0x8: {  	s6 =	sshll.u32 s4, $0x4;
	_ =	strace $0x80000047;
	s10 =	smul.u32 $0x28000, s4  }
0x9: {  	s30 =	ssub.s32 $0x2, s4;
	s4 =	sadd.s32 $0x1200, s5;
	s6 =	sor.u32 s1, s6  }
0xa: {  	s11 =	sshrl.u32 s30, $0x1;
	s6 =	smul.u32 $0x500, s6;
	s10 =	sadd.s32 s7, s10  }
0xb: {  	s12 =	sadd.s32 s7, s2;
	s11 =	ssub.s32 s30, s11;
	s10 =	sshrl.u32 s10, $0x3  }
0xc: {  	s9 =	sadd.s32 s6, s5;
	s5 =	sadd.s32 $0x15400, s5;
	s6 =	sor.u32 $0x1C02, s31  }
0xd: {  	s8 =	sadd.s32 s8, s10;
	s10 =	sshrl.u32 s12, $0x3;
	s12 =	simm.s32 $0x2800  }
0xe: {  	s7 =	sadd.s32 $0x1400, s9;
	s9 =	smax.u32 s11, $0x1;
	s11 =	simm.s32 $0x2  }
.LBB2_1:
0xf: {  	[spmem:s10], [sflag:s6] =	dma.local [hbm:s5], $0x500  }
0x10: {  	_ =	swait.ge [sflag:s11], $0x500  }
0x11: {  	[sflag:s11] =	ssyncset.done $0x0  }
0x12: {  	[sflag:s11] =	ssyncadd.s32 $0xFFFFFB00  }
0x13: {  	[tilespmem:s12], [sflag:$0x2] =	stream.linear.gather [hbm4b:s4+s3], $0x7D0, $0x38;
	[tilespmem:$0x57D0] =	vst v63  }
0x14: {  	_ =	swait.ge [sflag:s11], $0x7D0  }
0x15: {  	[sflag:s11] =	ssyncset.done $0x0  }
0x16: {  	[sflag:s11] =	ssyncadd.s32 $0xFFFFF830  }
0x17: {  	[tilespmem:s3], [sflag:$0x2] =	stream.linear.gather [hbm4b:s7+s3], $0x2800, $0x38;
	[tilespmem:$0x57D0] =	vst v63  }
0x18: {  	_ =	swait.ge [sflag:s11], $0x2800  }
0x19: {  	[sflag:s11] =	ssyncset.done $0x0  }
0x1a: {  	[sflag:s11] =	ssyncadd.s32 $0xFFFFD800  }
0x1b: {  	[bflag:$0x0] =	sbarrier.arrive $0xFFFF  }
0x1c: {  	[spmem:s2] =	stream.indirect.scatter.add.f32 [tilespmem:s12], [sflag:$0x1], $0x10, s3, s13, $0xb8;
	[tilespmem:$0x57D0] =	vst v63  }
0x1d: {  	_ = 	snop  }
0x1e: {  	[spmem:s2] =	stream.indirect.scatter.add.f32 [tilespmem:s12], [sflag:$0x1], $0x10, s14, s13, $0xb8;
	[tilespmem:$0x57D0] =	vst v63  }
0x1f: {  	_ = 	snop  }
0x20: {  	[spmem:s2] =	stream.indirect.scatter.add.f32 [tilespmem:s12], [sflag:$0x1], $0x10, s15, s13, $0xb8;
	[tilespmem:$0x57D0] =	vst v63  }
0x21: {  	_ = 	snop  }
0x22: {  	[spmem:s2] =	stream.indirect.scatter.add.f32 [tilespmem:s12], [sflag:$0x1], $0x10, s16, s13, $0xb8;
	[tilespmem:$0x57D0] =	vst v63  }
0x23: {  	s19 =	simm.s32 $0x200  }
0x24: {  	[spmem:s2] =	stream.indirect.scatter.add.f32 [tilespmem:s12], [sflag:$0x1], $0x10, s19, s13, $0xb8;
	[tilespmem:$0x57D0] =	vst v63  }
0x25: {  	_ =	swait.ge [sflag:s17], $0x7D0  }
0x26: {  	s19 =	simm.s32 $0xA00;
	[sflag:s17] =	ssyncset.done $0x0  }
.LBB2_2:
0x27: {  	s20 =	sshra.s32 s19, $0x2;
	[sflag:s17] =	ssyncadd.s32 $0xFFFFF830;
	p0 =	sne.s32 s19, $0x9E00  }
0x28: {  	[spmem:s2] =	stream.indirect.scatter.add.f32 [tilespmem:s12], [sflag:$0x1], $0x10, s20, s13, $0xb8;
	[tilespmem:$0x57D0] =	vst v63  }
.Ltmp0:
0x29: {  	_ = 	snop;
	(pc) =	sbr.rel @p0 .LBB2_2-.Ltmp0, $4  }
0x2a: {  	_ = 	snop  }
0x2b: {  	s19 =	sadd.s32 $0x200, s19  }
0x2c: {  	_ =	swait.ge [sflag:s17], $0x7D0  }
0x2d: {  	[sflag:s17] =	ssyncset.done $0x0  }
0x2e: {  	[sflag:s17] =	ssyncadd.s32 $0xFFFFF830  }
0x2f: {  	_ =	swait.ge [sflag:s17], $0x7D0  }
0x30: {  	[sflag:s17] =	ssyncset.done $0x0  }
0x31: {  	[sflag:s17] =	ssyncadd.s32 $0xFFFFF830  }
0x32: {  	_ =	swait.ge [sflag:s17], $0x7D0  }
0x33: {  	[sflag:s17] =	ssyncset.done $0x0  }
0x34: {  	[sflag:s17] =	ssyncadd.s32 $0xFFFFF830  }
0x35: {  	_ =	swait.ge [sflag:s17], $0x7D0  }
0x36: {  	[sflag:s17] =	ssyncset.done $0x0  }
0x37: {  	[sflag:s17] =	ssyncadd.s32 $0xFFFFF830  }
0x38: {  	_ =	swait.ge [sflag:s17], $0x7D0  }
0x39: {  	s18 =	sadd.s32 $0x1, s18;
	[sflag:s17] =	ssyncset.done $0x0  }
0x3a: {  	p0 =	sne.s32 s18, s9;
	[sflag:s17] =	ssyncadd.s32 $0xFFFFF830  }
.Ltmp1:
0x3b: {  	[bflag:$0x0] =	sbarrier.arrive $0xFFFF;
	(pc) =	sbr.rel @p0 .LBB2_1-.Ltmp1, $4  }
0x3c: {  	[hbm:s8], [sflag:s6] =	dma.local [spmem:s10], $0x500  }
0x3d: {  	_ =	swait.ge [sflag:s11], $0x500  }
0x3e: {  	[sflag:s11] =	ssyncset.done $0x0  }
0x3f: {  	[sflag:s11] =	ssyncadd.s32 $0xFFFFFB00  }
0x40: {  	_ =	sfence.sel $0x180000  }
0x41: {  	[bflag:$0x0] =	sbarrier.arrive $0xFFFF  }
0x42: {  	p0 =	sne.s32 s1, $0x0;
	_ =	strace $0x90000047  }
0x43: {  	s0 =	sadd.s32 @!p0 $0x100000, s0;
	[bflag:$0x2] =	sbarrier.arrive $0xFFFF  }
0x44: {  	[sflag:s0] =	ssyncadd.tile.s32 @!p0 $0x1;
	_ =	shalt  }
.Lfunc_end2:
_tile_overlayer_lowered:
.L_overlay_start_2:
0x45: {  	(tag) =	ssettag $0x2  }
0x46: {  	s0 =	rddreg [dreg:$0x0];
	s2 =	stileid.u32  }
0x47: {  	s1 =	rddreg [dreg:$0x1];
	p0 =	sne.s32 s2, $0x0  }
0x48: {  	s3 =	rddreg [dreg:$0x2];
	[bflag:$0x3] =	sbarrier.arrive $0xFFFF;
	s2 =	simm.s32 @!p0 $0x1C02  }
0x49: {  	[timem:s3], [sflag:s2] =	dma.local @!p0 [hbm:s0], s1  }
0x4a: {  	s0 =	simm.s32 @!p0 $0x2  }
0x4b: {  	_ =	swait.ge @!p0 [sflag:s0], s1  }
0x4c: {  	s1 =	ssub.s32 @!p0 $0x0, s1;
	[sflag:s0] =	ssyncset.done @!p0 $0x0  }
0x4d: {  	[sflag:s0] =	ssyncadd.s32 @!p0 s1  }
0x4e: {  	[bflag:$0x3] =	sbarrier.arrive $0xFFFF  }
0x4f: {  	_ =	shalt  }

// kernel: deg_hist_1.3.cloned.1.call-start
scs
__scs_entry_jumppad:
0x0: {  	(pc) =	sbr.rel $0x88, $3  }
0x1: {  	(tag) =	ssettag $0x0;
	lr =	simm.s32 $0x1  }
0x2: {  	[smem:$0x3F9F] =	sst lr;
	_ =	strace $0xD0000000  }
0x3: {  	_ = 	snop  }
0x4: {  	_ = 	snop  }
0x5: {  	_ = 	snop  }
0x6: {  	_ = 	snop  }
0x7: {  	_ = 	snop  }
__scs_overlays_trampoline_lowered:
0x8: {  	[smem:$0x3FAE] =	sst s0  }
0x9: {  	[smem:$0x3FAF] =	sst s1  }
0xa: {  	[smem:$0x3FB0] =	sst s2  }
0xb: {  	[smem:$0x3FB1] =	sst s3  }
0xc: {  	[smem:$0x3FB2] =	sst s4  }
0xd: {  	[smem:$0x3FB3] =	sst s5  }
0xe: {  	[smem:$0x3FB4] =	sst s6  }
0xf: {  	[smem:$0x3FB5] =	sst s7  }
0x10: {  	[smem:$0x3FB6] =	sst s8  }
0x11: {  	[smem:$0x3FB7] =	sst s9;
	s0 =	simm.s32 @!p0 $0x0  }
0x12: {  	s1 =	sld [smem:$0x3F9D];
	s0 =	simm.s32 @p0 $0x1  }
0x13: {  	[smem:$0x3FB8] =	sst s0;
	s0 =	simm.s32 @!p1 $0x0  }
0x14: {  	s2 =	sld [smem:$0x3F9C];
	s0 =	simm.s32 @p1 $0x1  }
0x15: {  	[smem:$0x3FB9] =	sst s0;
	s0 =	simm.s32 @!p2 $0x0  }
0x16: {  	s3 =	sld [smem:$0x3FDB];
	s0 =	simm.s32 @p2 $0x1  }
0x17: {  	s4 =	simm.s32 $0x1BF5;
	[smem:$0x3FBB] =	sst s0  }
0x18: {  	s0 =	sld [smem:$0x3F9E];
	_ =	swait.ge [sflag:s4], $0x0  }
0x19: {  	s7 =	sld [smem:$0x3F9F]  }
0x1a: {  	s8 =	sadd.s32 $0xFFFFE003, lr  }
0x1b: {  	s9 =	sadd.s32 $0xFFFFFEF7, lr;
	s5 =	simm.s32 $0xFFFFFFFF;
	p2 =	slt.u32 s8, $0xFFFFF086  }
0x1c: {  	p1 =	slt.u32 s9, $0xF7A;
	s5 =	simm.s32 @!p2 $0x0  }
0x1d: {  	s5 =	simm.s32 @p1 $0x1;
	p0 =	seq.s32 s7, s2  }
0x1e: {  	s7 =	smul.u32 @!p0 $0xF7A, s2;
	p2 =	seq.s32 @!p0 s5, $0x0  }
0x1f: {  	s9 =	smul.u32 $0xF7A, s1;
	s8 =	simm.s32 @!p0 $0x1BF5;
	p2 =	por !p2, p0  }
0x20: {  	[sflag:s8] =	ssyncset.s32 @!p0 $0xFFFFF086;
	s6 =	sadd.s32 @!p0 s3, s7;
	s7 =	simm.s32 @!p0 $0x108  }
0x21: {  	s3 =	sadd.s32 s3, s9;
	s6 =	sadd.s32 @!p0 $0x88, s6;
	s7 =	simm.s32 @p2 $0x1082  }
0x22: {  	[simem:s7], [sflag:s8] =	dma.local @!p0 [hbm:s6], $0xF7A  }
0x23: {  	s9 =	sor.u32 $0xD0000000, s2;
	s6 =	simm.s32 $0x108;
	_ =	swait.ge @!p0 [sflag:s8], $0x0  }
0x24: {  	s3 =	sadd.s32 $0x88, s3;
	s6 =	simm.s32 @!p1 $0x1082;
	[sflag:s4] =	ssyncset.s32 $0xFFFFF086  }
0x25: {  	[simem:s6], [sflag:s4] =	dma.local [hbm:s3], $0xF7A  }
0x26: {  	[smem:$0x3F9F] =	sst s1;
	(tag) =	ssettag s2;
	_ =	strace s9  }
0x27: {  	s1 =	sld [smem:$0x3FAF]  }
0x28: {  	s2 =	sld [smem:$0x3FB0]  }
0x29: {  	s4 =	sld [smem:$0x3FB2]  }
0x2a: {  	p0 =	seq.s32 s5, $0x0;
	s5 =	sld [smem:$0x3FB3]  }
0x2b: {  	s6 =	sld [smem:$0x3FB4]  }
0x2c: {  	s7 =	sld [smem:$0x3FB5]  }
0x2d: {  	s3 =	simm.s32 $0x108;
	s8 =	sld [smem:$0x3FB6]  }
0x2e: {  	s3 =	simm.s32 @!p0 $0x1082;
	s9 =	sld [smem:$0x3FB7]  }
0x2f: {  	lr =	sadd.s32 s0, s3;
	s0 =	sld [smem:$0x3FAE]  }
0x30: {  	s3 =	sld [smem:$0x3FB1]  }
0x31: {  	[smem:$0x3FBA] =	sst s10  }
0x32: {  	s10 =	sld [smem:$0x3FB8];
	_ =	sdelay $0x3  }
0x33: {  	p0 =	seq.s32 s10, $0x1;
	s10 =	sld [smem:$0x3FBA];
	_ =	sdelay $0x3  }
0x34: {  	[smem:$0x3FBA] =	sst s10  }
0x35: {  	s10 =	sld [smem:$0x3FB9];
	_ =	sdelay $0x3  }
0x36: {  	p1 =	seq.s32 s10, $0x1;
	s10 =	sld [smem:$0x3FBA];
	_ =	sdelay $0x3  }
0x37: {  	[smem:$0x3FBA] =	sst s10  }
0x38: {  	s10 =	sld [smem:$0x3FBB]  }
0x39: {  	_ = 	snop;
	(pc) =	sbr.ind lr, $3  }
0x3a: {  	_ = 	snop  }
0x3b: {  	_ = 	snop  }
0x3c: {  	p2 =	seq.s32 s10, $0x1;
	s10 =	sld [smem:$0x3FBA]  }
0x3d: {  	_ =	shalt  }
0x3e: {  	_ =	shalt  }
0x3f: {  	_ =	shalt  }
0x40: {  	_ =	shalt  }
0x41: {  	_ =	shalt  }
0x42: {  	_ =	shalt  }
0x43: {  	_ =	shalt  }
0x44: {  	_ =	shalt  }
0x45: {  	_ =	shalt  }
0x46: {  	_ =	shalt  }
0x47: {  	_ =	shalt  }
0x48: {  	_ =	shalt  }
0x49: {  	_ =	shalt  }
0x4a: {  	_ =	shalt  }
0x4b: {  	_ =	shalt  }
0x4c: {  	_ =	shalt  }
0x4d: {  	_ =	shalt  }
0x4e: {  	_ =	shalt  }
0x4f: {  	_ =	shalt  }
0x50: {  	_ =	shalt  }
0x51: {  	_ =	shalt  }
0x52: {  	_ =	shalt  }
0x53: {  	_ =	shalt  }
0x54: {  	_ =	shalt  }
0x55: {  	_ =	shalt  }
0x56: {  	_ =	shalt  }
0x57: {  	_ =	shalt  }
0x58: {  	_ =	shalt  }
0x59: {  	_ =	shalt  }
0x5a: {  	_ =	shalt  }
0x5b: {  	_ =	shalt  }
0x5c: {  	_ =	shalt  }
0x5d: {  	_ =	shalt  }
0x5e: {  	_ =	shalt  }
0x5f: {  	_ =	shalt  }
0x60: {  	_ =	shalt  }
0x61: {  	_ =	shalt  }
0x62: {  	_ =	shalt  }
0x63: {  	_ =	shalt  }
0x64: {  	_ =	shalt  }
0x65: {  	_ =	shalt  }
0x66: {  	_ =	shalt  }
0x67: {  	_ =	shalt  }
0x68: {  	_ =	shalt  }
0x69: {  	_ =	shalt  }
0x6a: {  	_ =	shalt  }
0x6b: {  	_ =	shalt  }
0x6c: {  	_ =	shalt  }
0x6d: {  	_ =	shalt  }
0x6e: {  	_ =	shalt  }
0x6f: {  	_ =	shalt  }
0x70: {  	_ =	shalt  }
0x71: {  	_ =	shalt  }
0x72: {  	_ =	shalt  }
0x73: {  	_ =	shalt  }
0x74: {  	_ =	shalt  }
0x75: {  	_ =	shalt  }
0x76: {  	_ =	shalt  }
0x77: {  	_ =	shalt  }
0x78: {  	_ =	shalt  }
0x79: {  	_ =	shalt  }
0x7a: {  	_ =	shalt  }
0x7b: {  	_ =	shalt  }
0x7c: {  	_ =	shalt  }
0x7d: {  	_ =	shalt  }
0x7e: {  	_ =	shalt  }
0x7f: {  	_ =	shalt  }
0x80: {  	_ =	shalt  }
0x81: {  	_ =	shalt  }
0x82: {  	_ =	shalt  }
0x83: {  	_ =	shalt  }
0x84: {  	_ =	shalt  }
0x85: {  	_ =	shalt  }
0x86: {  	_ =	shalt  }
0x87: {  	_ =	shalt  }
.Lfunc_end0:
.L_simem_size_0:
called_computation.1_lowered:
.L_overlay_start_0:
0x88: {  	s2 =	sld [smem:$0x3FD9]  }
0x89: {  	s3 =	sld [smem:$0x3FFE];
	_ =	sdelay $0x1  }
0x8a: {  	s1 =	srdreg.scid  }
0x8b: {  	s0 =	sand.u32 $0x1, s1  }
0x8c: {  	s17 =	sshll.u32 s0, $0xA;
	s2 =	sadd.s32 s3, s2  }
0x8d: {  	s2 =	sadd.s32 s2, s17  }
0x8e: {  	[smem:$0x3FC6] =	sst s2  }
0x8f: {  	_ = 	snop  }
0x90: {  	(tm) =	ssettm $0x1  }
0x91: {  	s18 =	sld [smem:$0x3FFB];
	_ =	sdelay $0x3  }
0x92: {  	_ =	strace s18  }
0x93: {  	s2 =	sld [smem:$0x3FFC];
	_ =	sdelay $0x3  }
0x94: {  	_ =	strace s2  }
0x95: {  	s2 =	sld [smem:$0x3FFD];
	_ =	sdelay $0x3  }
0x96: {  	_ =	strace s2  }
0x97: {  	_ =	strace $0x8FFFFFFF  }
0x98: {  	s19 =	sld [smem:$0x3FDB];
	_ =	sdelay $0x1  }
0x99: {  	s20 =	simm.s32 $_scs_section_size  }
0x9a: {  	s4 =	simm.s32 $_size__tile_overlayer_lowered;
	s5 =	simm.s32 $_tile_overlayer_lowered  }
0x9b: {  	s6 =	simm.s32 $0x1BFF;
	s21 =	sshll.u32 s5, $0x1;
	s3 =	sadd.s32 s20, s19  }
0x9c: {  	s22 =	simm.s32 $0x0;
	s4 =	sshll.u32 s4, $0x1;
	s5 =	sadd.s32 s21, s3  }
0x9d: {  	[timem:s22], [sflag:s6] =	dma.local [hbm:s5], s4  }
0x9e: {  	_ =	swait.ge [sflag:s6], s4  }
0x9f: {  	s4 =	ssub.s32 $0x0, s4;
	[sflag:s6] =	ssyncset.done $0x0  }
0xa0: {  	[sflag:s6] =	ssyncadd.s32 s4;
	_ =	sdelay $0x1  }
0xa1: {  	s23 =	simm.s32 $0x1B8B  }
0xa2: {  	_ =	swait.ge [sflag:s23], $0x1  }
0xa3: {  	[sflag:s23] =	ssyncset.done $0x0  }
0xa4: {  	[sflag:s23] =	ssyncadd.s32 $0xFFFFFFFF  }
0xa5: {  	s4 =	sld [smem:$0x0]  }
0xa6: {  	s5 =	sand.u32 $0xFFFFFFFE, s1  }
0xa7: {  	p0 =	sne.s32 s1, s5  }
0xa8: {  	s5 =	sshll.u32 @p0 s5, $0xE  }
0xa9: {  	s5 =	sadd.s32 @p0 $0x11B8D, s5;
	s6 =	sshll.u32 @p0 s4, $0x11  }
0xaa: {  	s5 =	sor.u32 @p0 s6, s5  }
0xab: {  	[sflag:s5] =	ssyncadd.remote.s32 @p0 $0x1;
	_ =	sdelay $0x1  }
0xac: {  	s5 =	simm.s32 @p0 $0x1B8D  }
0xad: {  	_ =	swait.eq @p0 [sflag:s5], $0x1  }
0xae: {  	[sflag:s5] =	ssyncadd.s32 @p0 $0xFFFFFFFF  }
0xaf: {  	s6 =	sshll.u32 @!p0 s1, $0xE  }
0xb0: {  	s6 =	sor.u32 @!p0 $0x4000, s6;
	s5 =	simm.s32 @!p0 $0x1B8D  }
0xb1: {  	s4 =	sshll.u32 @!p0 s4, $0x11;
	s6 =	sadd.s32 @!p0 $0x11B8D, s6;
	_ =	swait.eq @!p0 [sflag:s5], $0x1  }
0xb2: {  	s4 =	sor.u32 @!p0 s4, s6;
	[sflag:s5] =	ssyncadd.s32 @!p0 $0xFFFFFFFF  }
0xb3: {  	s25 =	simm.s32 $0x1B8E;
	s24 =	sld [smem:$0x3FFE];
	[sflag:s4] =	ssyncadd.remote.s32 @!p0 $0x1  }
0xb4: {  	s26 =	simm.s32 $execute0_lowered;
	[smem:$0x3FD2] =	sst s25  }
0xb5: {  	s5 =	sshll.u32 s26, $0x1;
	_ =	strace $0x80000049;
	[dreg:$0x1] =	wrdreg $0xFFFFFFFF  }
0xb6: {  	s28 =	simm.s32 $_size_execute0_lowered;
	s3 =	sadd.s32 s3, s5;
	[dreg:$0x0] =	wrdreg $0x0  }
0xb7: {  	s5 =	sshll.u32 s28, $0x1;
	[dreg:$0x2] =	wrdreg s3  }
0xb8: {  	[dreg:$0x3] =	wrdreg s5  }
0xb9: {  	[dreg:$0x4] =	wrdreg $0xC0  }
0xba: {  	_ =	task [dreg:s22], $0x5FFFF  }
0xbb: {  	[dreg:$0x1] =	wrdreg $0xFFFFFFFF  }
0xbc: {  	[dreg:$0x0] =	wrdreg $0x60  }
0xbd: {  	[dreg:$0x2] =	wrdreg s24  }
0xbe: {  	[dreg:$0x3] =	wrdreg $0x2FD00  }
0xbf: {  	[dreg:$0x4] =	wrdreg $0x9  }
0xc0: {  	_ =	task.clear_ibuf [dreg:s22], $0x5FFFF;
	_ =	strace $0x90000049  }
0xc1: {  	s29 =	simm.s32 $0x9;
	_ =	strace $0x8000004B  }
0xc2: {  	_ =	swait.ge [sflag:s29], $0x1  }
0xc3: {  	[sflag:s29] =	ssyncadd.s32 $0xFFFFFFFF  }
0xc4: {  	_ =	strace $0x9000004B  }
0xc5: {  	_ =	sfence  }
0xc6: {  	s30 =	sld [smem:$0x0];
	_ =	sdelay $0x2  }
0xc7: {  	s31 =	sshll.u32 s1, $0xD;
	s1 =	sshrl.u32 s1, $0x2  }
0xc8: {  	s4 =	sand.u32 $0x4000, s31;
	s1 =	sadd.s32 s1, s30  }
0xc9: {  	s0 =	sor.u32 s4, s0;
	s1 =	sshll.u32 s1, $0x11  }
0xca: {  	s0 =	sor.u32 s1, s0  }
0xcb: {  	s0 =	sadd.s32 $0x8F2B, s0  }
0xcc: {  	[sflag:s0] =	ssyncadd.remote.s32 $0x1  }
0xcd: {  	_ =	sfence.sel $0xFFFF  }
0xce: {  	[dreg:$0x0] =	wrdreg $0xFFFFFFFF;
	(pc) =	sbr.abs _section_cstart, $3  }
0xcf: {  	[dreg:$0x1] =	wrdreg $0xFFFFFFFF  }
0xd0: {  	_ =	task.clear_ibuf [dreg:s22], $0x2FFFF;
	_ =	strace $0x9FFFFFFF  }
0xd1: {  	(tm) =	ssettm $0x7FFFFFFF  }
tec
execute0_lowered:
.L_overlay_start_1:
0x0: {  	(tag) =	ssettag $0x1  }
0x1: {  	s7 =	rddreg [dreg:$0x0]  }
0x2: {  	s2 =	rddreg [dreg:$0x1]  }
0x3: {  	s0 =	rddreg [dreg:$0x2]  }
0x4: {  	s4 =	srdreg.scid;
	s1 =	stileid.u32;
	s3 =	simm.s32 $0x0  }
0x5: {  	s13 =	simm.s32 $0x7D;
	s14 =	simm.s32 $0x80;
	s15 =	simm.s32 $0x100  }
0x6: {  	s16 =	simm.s32 $0x180;
	s17 =	simm.s32 $0x1;
	s18 =	simm.s32 $0x0  }
0x7: {  	s5 =	sand.u32 $0x1, s4;
	s6 =	smul.u32 $0x2800, s1;
	[smem:$0x7FF] =	sst s3  }
0x8: {  	s4 =	sadd.s32 $0x1200, s7;
	s31 =	sshll.u32 s1, $0x6;
	s8 =	smul.u32 $0x28000, s5  }
0x9: {  	_ =	strace $0x8000004A;
	s9 =	sshll.u32 s5, $0x4;
	s10 =	ssub.s32 $0x2, s5  }
0xa: {  	s5 =	sadd.s32 $0x15400, s7;
	s9 =	sor.u32 s1, s9;
	s11 =	sshrl.u32 s10, $0x1  }
0xb: {  	s12 =	sadd.s32 s6, s2;
	s8 =	sadd.s32 s6, s8;
	s9 =	smul.u32 $0x2800, s9  }
0xc: {  	s10 =	ssub.s32 s10, s11;
	s6 =	sor.u32 $0x1C02, s31;
	s8 =	sshrl.u32 s8, $0x3  }
0xd: {  	s11 =	simm.s32 $0x2;
	s8 =	sadd.s32 s8, s7;
	s9 =	sshrl.u32 s9, $0x3  }
0xe: {  	s7 =	sadd.s32 s7, s9;
	s8 =	sadd.s32 $0x15A00, s8;
	s9 =	smax.u32 s10, $0x1  }
0xf: {  	s10 =	sshrl.u32 s12, $0x3;
	s12 =	simm.s32 $0x2800;
	s7 =	sadd.s32 $0xB400, s7  }
.LBB2_1:
0x10: {  	[spmem:s10], [sflag:s6] =	dma.local [hbm:s5], $0x500  }
0x11: {  	_ =	swait.ge [sflag:s11], $0x500  }
0x12: {  	[sflag:s11] =	ssyncset.done $0x0  }
0x13: {  	[sflag:s11] =	ssyncadd.s32 $0xFFFFFB00  }
0x14: {  	[tilespmem:s12], [sflag:$0x2] =	stream.linear.gather [hbm4b:s4+s3], $0x7D0, $0x38;
	[tilespmem:$0x57D0] =	vst v63  }
0x15: {  	_ =	swait.ge [sflag:s11], $0x7D0  }
0x16: {  	[sflag:s11] =	ssyncset.done $0x0  }
0x17: {  	[sflag:s11] =	ssyncadd.s32 $0xFFFFF830  }
0x18: {  	[tilespmem:s3], [sflag:$0x2] =	stream.linear.gather [hbm4b:s7+s3], $0x2800, $0x38;
	[tilespmem:$0x57D0] =	vst v63  }
0x19: {  	_ =	swait.ge [sflag:s11], $0x2800  }
0x1a: {  	[sflag:s11] =	ssyncset.done $0x0  }
0x1b: {  	[sflag:s11] =	ssyncadd.s32 $0xFFFFD800  }
0x1c: {  	[bflag:$0x0] =	sbarrier.arrive $0xFFFF  }
0x1d: {  	[spmem:s2] =	stream.indirect.scatter.add.f32 [tilespmem:s12], [sflag:$0x1], $0x10, s3, s13, $0xb8;
	[tilespmem:$0x57D0] =	vst v63  }
0x1e: {  	_ = 	snop  }
0x1f: {  	[spmem:s2] =	stream.indirect.scatter.add.f32 [tilespmem:s12], [sflag:$0x1], $0x10, s14, s13, $0xb8;
	[tilespmem:$0x57D0] =	vst v63  }
0x20: {  	_ = 	snop  }
0x21: {  	[spmem:s2] =	stream.indirect.scatter.add.f32 [tilespmem:s12], [sflag:$0x1], $0x10, s15, s13, $0xb8;
	[tilespmem:$0x57D0] =	vst v63  }
0x22: {  	_ = 	snop  }
0x23: {  	[spmem:s2] =	stream.indirect.scatter.add.f32 [tilespmem:s12], [sflag:$0x1], $0x10, s16, s13, $0xb8;
	[tilespmem:$0x57D0] =	vst v63  }
0x24: {  	s19 =	simm.s32 $0x200  }
0x25: {  	[spmem:s2] =	stream.indirect.scatter.add.f32 [tilespmem:s12], [sflag:$0x1], $0x10, s19, s13, $0xb8;
	[tilespmem:$0x57D0] =	vst v63  }
0x26: {  	_ =	swait.ge [sflag:s17], $0x7D0  }
0x27: {  	s19 =	simm.s32 $0xA00;
	[sflag:s17] =	ssyncset.done $0x0  }
.LBB2_2:
0x28: {  	s20 =	sshra.s32 s19, $0x2;
	[sflag:s17] =	ssyncadd.s32 $0xFFFFF830;
	p0 =	sne.s32 s19, $0x9E00  }
0x29: {  	[spmem:s2] =	stream.indirect.scatter.add.f32 [tilespmem:s12], [sflag:$0x1], $0x10, s20, s13, $0xb8;
	[tilespmem:$0x57D0] =	vst v63  }
.Ltmp0:
0x2a: {  	_ = 	snop;
	(pc) =	sbr.rel @p0 .LBB2_2-.Ltmp0, $4  }
0x2b: {  	_ = 	snop  }
0x2c: {  	s19 =	sadd.s32 $0x200, s19  }
0x2d: {  	_ =	swait.ge [sflag:s17], $0x7D0  }
0x2e: {  	[sflag:s17] =	ssyncset.done $0x0  }
0x2f: {  	[sflag:s17] =	ssyncadd.s32 $0xFFFFF830  }
0x30: {  	_ =	swait.ge [sflag:s17], $0x7D0  }
0x31: {  	[sflag:s17] =	ssyncset.done $0x0  }
0x32: {  	[sflag:s17] =	ssyncadd.s32 $0xFFFFF830  }
0x33: {  	_ =	swait.ge [sflag:s17], $0x7D0  }
0x34: {  	[sflag:s17] =	ssyncset.done $0x0  }
0x35: {  	[sflag:s17] =	ssyncadd.s32 $0xFFFFF830  }
0x36: {  	_ =	swait.ge [sflag:s17], $0x7D0  }
0x37: {  	[sflag:s17] =	ssyncset.done $0x0  }
0x38: {  	[sflag:s17] =	ssyncadd.s32 $0xFFFFF830  }
0x39: {  	_ =	swait.ge [sflag:s17], $0x7D0  }
0x3a: {  	s18 =	sadd.s32 $0x1, s18;
	[sflag:s17] =	ssyncset.done $0x0  }
0x3b: {  	p0 =	sne.s32 s18, s9;
	[sflag:s17] =	ssyncadd.s32 $0xFFFFF830  }
.Ltmp1:
0x3c: {  	[bflag:$0x0] =	sbarrier.arrive $0xFFFF;
	(pc) =	sbr.rel @p0 .LBB2_1-.Ltmp1, $4  }
0x3d: {  	[hbm:s8], [sflag:s6] =	dma.local [spmem:s10], $0x500  }
0x3e: {  	_ =	swait.ge [sflag:s11], $0x500  }
0x3f: {  	[sflag:s11] =	ssyncset.done $0x0  }
0x40: {  	[sflag:s11] =	ssyncadd.s32 $0xFFFFFB00  }
0x41: {  	_ =	sfence.sel $0x180000  }
0x42: {  	[bflag:$0x0] =	sbarrier.arrive $0xFFFF  }
0x43: {  	p0 =	sne.s32 s1, $0x0;
	_ =	strace $0x9000004A  }
0x44: {  	s0 =	sadd.s32 @!p0 $0x100000, s0;
	[bflag:$0x2] =	sbarrier.arrive $0xFFFF  }
0x45: {  	[sflag:s0] =	ssyncadd.tile.s32 @!p0 $0x1;
	_ =	shalt  }
.Lfunc_end2:
_tile_overlayer_lowered:
.L_overlay_start_2:
0x46: {  	(tag) =	ssettag $0x2  }
0x47: {  	s0 =	rddreg [dreg:$0x0];
	s2 =	stileid.u32  }
0x48: {  	s1 =	rddreg [dreg:$0x1];
	p0 =	sne.s32 s2, $0x0  }
0x49: {  	s3 =	rddreg [dreg:$0x2];
	[bflag:$0x3] =	sbarrier.arrive $0xFFFF;
	s2 =	simm.s32 @!p0 $0x1C02  }
0x4a: {  	[timem:s3], [sflag:s2] =	dma.local @!p0 [hbm:s0], s1  }
0x4b: {  	s0 =	simm.s32 @!p0 $0x2  }
0x4c: {  	_ =	swait.ge @!p0 [sflag:s0], s1  }
0x4d: {  	s1 =	ssub.s32 @!p0 $0x0, s1;
	[sflag:s0] =	ssyncset.done @!p0 $0x0  }
0x4e: {  	[sflag:s0] =	ssyncadd.s32 @!p0 s1  }
0x4f: {  	[bflag:$0x3] =	sbarrier.arrive $0xFFFF  }
0x50: {  	_ =	shalt  }

// kernel: kernel.5.cloned.1.call-start
scs
__scs_entry_jumppad:
0x0: {  	(pc) =	sbr.rel $0x88, $3  }
0x1: {  	(tag) =	ssettag $0x0;
	lr =	simm.s32 $0x1  }
0x2: {  	[smem:$0x3F9F] =	sst lr;
	_ =	strace $0xD0000000  }
0x3: {  	_ = 	snop  }
0x4: {  	_ = 	snop  }
0x5: {  	_ = 	snop  }
0x6: {  	_ = 	snop  }
0x7: {  	_ = 	snop  }
__scs_overlays_trampoline_lowered:
0x8: {  	[smem:$0x3FAE] =	sst s0  }
0x9: {  	[smem:$0x3FAF] =	sst s1  }
0xa: {  	[smem:$0x3FB0] =	sst s2  }
0xb: {  	[smem:$0x3FB1] =	sst s3  }
0xc: {  	[smem:$0x3FB2] =	sst s4  }
0xd: {  	[smem:$0x3FB3] =	sst s5  }
0xe: {  	[smem:$0x3FB4] =	sst s6  }
0xf: {  	[smem:$0x3FB5] =	sst s7  }
0x10: {  	[smem:$0x3FB6] =	sst s8  }
0x11: {  	[smem:$0x3FB7] =	sst s9;
	s0 =	simm.s32 @!p0 $0x0  }
0x12: {  	s1 =	sld [smem:$0x3F9D];
	s0 =	simm.s32 @p0 $0x1  }
0x13: {  	[smem:$0x3FB8] =	sst s0;
	s0 =	simm.s32 @!p1 $0x0  }
0x14: {  	s2 =	sld [smem:$0x3F9C];
	s0 =	simm.s32 @p1 $0x1  }
0x15: {  	[smem:$0x3FB9] =	sst s0;
	s0 =	simm.s32 @!p2 $0x0  }
0x16: {  	s3 =	sld [smem:$0x3FDB];
	s0 =	simm.s32 @p2 $0x1  }
0x17: {  	s4 =	simm.s32 $0x1BF5;
	[smem:$0x3FBB] =	sst s0  }
0x18: {  	s0 =	sld [smem:$0x3F9E];
	_ =	swait.ge [sflag:s4], $0x0  }
0x19: {  	s7 =	sld [smem:$0x3F9F]  }
0x1a: {  	s8 =	sadd.s32 $0xFFFFE003, lr  }
0x1b: {  	s9 =	sadd.s32 $0xFFFFFEF7, lr;
	s5 =	simm.s32 $0xFFFFFFFF;
	p2 =	slt.u32 s8, $0xFFFFF086  }
0x1c: {  	p1 =	slt.u32 s9, $0xF7A;
	s5 =	simm.s32 @!p2 $0x0  }
0x1d: {  	s5 =	simm.s32 @p1 $0x1;
	p0 =	seq.s32 s7, s2  }
0x1e: {  	s7 =	smul.u32 @!p0 $0xF7A, s2;
	p2 =	seq.s32 @!p0 s5, $0x0  }
0x1f: {  	s9 =	smul.u32 $0xF7A, s1;
	s8 =	simm.s32 @!p0 $0x1BF5;
	p2 =	por !p2, p0  }
0x20: {  	[sflag:s8] =	ssyncset.s32 @!p0 $0xFFFFF086;
	s6 =	sadd.s32 @!p0 s3, s7;
	s7 =	simm.s32 @!p0 $0x108  }
0x21: {  	s3 =	sadd.s32 s3, s9;
	s6 =	sadd.s32 @!p0 $0x88, s6;
	s7 =	simm.s32 @p2 $0x1082  }
0x22: {  	[simem:s7], [sflag:s8] =	dma.local @!p0 [hbm:s6], $0xF7A  }
0x23: {  	s9 =	sor.u32 $0xD0000000, s2;
	s6 =	simm.s32 $0x108;
	_ =	swait.ge @!p0 [sflag:s8], $0x0  }
0x24: {  	s3 =	sadd.s32 $0x88, s3;
	s6 =	simm.s32 @!p1 $0x1082;
	[sflag:s4] =	ssyncset.s32 $0xFFFFF086  }
0x25: {  	[simem:s6], [sflag:s4] =	dma.local [hbm:s3], $0xF7A  }
0x26: {  	[smem:$0x3F9F] =	sst s1;
	(tag) =	ssettag s2;
	_ =	strace s9  }
0x27: {  	s1 =	sld [smem:$0x3FAF]  }
0x28: {  	s2 =	sld [smem:$0x3FB0]  }
0x29: {  	s4 =	sld [smem:$0x3FB2]  }
0x2a: {  	p0 =	seq.s32 s5, $0x0;
	s5 =	sld [smem:$0x3FB3]  }
0x2b: {  	s6 =	sld [smem:$0x3FB4]  }
0x2c: {  	s7 =	sld [smem:$0x3FB5]  }
0x2d: {  	s3 =	simm.s32 $0x108;
	s8 =	sld [smem:$0x3FB6]  }
0x2e: {  	s3 =	simm.s32 @!p0 $0x1082;
	s9 =	sld [smem:$0x3FB7]  }
0x2f: {  	lr =	sadd.s32 s0, s3;
	s0 =	sld [smem:$0x3FAE]  }
0x30: {  	s3 =	sld [smem:$0x3FB1]  }
0x31: {  	[smem:$0x3FBA] =	sst s10  }
0x32: {  	s10 =	sld [smem:$0x3FB8];
	_ =	sdelay $0x3  }
0x33: {  	p0 =	seq.s32 s10, $0x1;
	s10 =	sld [smem:$0x3FBA];
	_ =	sdelay $0x3  }
0x34: {  	[smem:$0x3FBA] =	sst s10  }
0x35: {  	s10 =	sld [smem:$0x3FB9];
	_ =	sdelay $0x3  }
0x36: {  	p1 =	seq.s32 s10, $0x1;
	s10 =	sld [smem:$0x3FBA];
	_ =	sdelay $0x3  }
0x37: {  	[smem:$0x3FBA] =	sst s10  }
0x38: {  	s10 =	sld [smem:$0x3FBB]  }
0x39: {  	_ = 	snop;
	(pc) =	sbr.ind lr, $3  }
0x3a: {  	_ = 	snop  }
0x3b: {  	_ = 	snop  }
0x3c: {  	p2 =	seq.s32 s10, $0x1;
	s10 =	sld [smem:$0x3FBA]  }
0x3d: {  	_ =	shalt  }
0x3e: {  	_ =	shalt  }
0x3f: {  	_ =	shalt  }
0x40: {  	_ =	shalt  }
0x41: {  	_ =	shalt  }
0x42: {  	_ =	shalt  }
0x43: {  	_ =	shalt  }
0x44: {  	_ =	shalt  }
0x45: {  	_ =	shalt  }
0x46: {  	_ =	shalt  }
0x47: {  	_ =	shalt  }
0x48: {  	_ =	shalt  }
0x49: {  	_ =	shalt  }
0x4a: {  	_ =	shalt  }
0x4b: {  	_ =	shalt  }
0x4c: {  	_ =	shalt  }
0x4d: {  	_ =	shalt  }
0x4e: {  	_ =	shalt  }
0x4f: {  	_ =	shalt  }
0x50: {  	_ =	shalt  }
0x51: {  	_ =	shalt  }
0x52: {  	_ =	shalt  }
0x53: {  	_ =	shalt  }
0x54: {  	_ =	shalt  }
0x55: {  	_ =	shalt  }
0x56: {  	_ =	shalt  }
0x57: {  	_ =	shalt  }
0x58: {  	_ =	shalt  }
0x59: {  	_ =	shalt  }
0x5a: {  	_ =	shalt  }
0x5b: {  	_ =	shalt  }
0x5c: {  	_ =	shalt  }
0x5d: {  	_ =	shalt  }
0x5e: {  	_ =	shalt  }
0x5f: {  	_ =	shalt  }
0x60: {  	_ =	shalt  }
0x61: {  	_ =	shalt  }
0x62: {  	_ =	shalt  }
0x63: {  	_ =	shalt  }
0x64: {  	_ =	shalt  }
0x65: {  	_ =	shalt  }
0x66: {  	_ =	shalt  }
0x67: {  	_ =	shalt  }
0x68: {  	_ =	shalt  }
0x69: {  	_ =	shalt  }
0x6a: {  	_ =	shalt  }
0x6b: {  	_ =	shalt  }
0x6c: {  	_ =	shalt  }
0x6d: {  	_ =	shalt  }
0x6e: {  	_ =	shalt  }
0x6f: {  	_ =	shalt  }
0x70: {  	_ =	shalt  }
0x71: {  	_ =	shalt  }
0x72: {  	_ =	shalt  }
0x73: {  	_ =	shalt  }
0x74: {  	_ =	shalt  }
0x75: {  	_ =	shalt  }
0x76: {  	_ =	shalt  }
0x77: {  	_ =	shalt  }
0x78: {  	_ =	shalt  }
0x79: {  	_ =	shalt  }
0x7a: {  	_ =	shalt  }
0x7b: {  	_ =	shalt  }
0x7c: {  	_ =	shalt  }
0x7d: {  	_ =	shalt  }
0x7e: {  	_ =	shalt  }
0x7f: {  	_ =	shalt  }
0x80: {  	_ =	shalt  }
0x81: {  	_ =	shalt  }
0x82: {  	_ =	shalt  }
0x83: {  	_ =	shalt  }
0x84: {  	_ =	shalt  }
0x85: {  	_ =	shalt  }
0x86: {  	_ =	shalt  }
0x87: {  	_ =	shalt  }
.Lfunc_end0:
.L_simem_size_0:
called_computation.2_lowered:
.L_overlay_start_0:
0x88: {  	s2 =	sld [smem:$0x3FD9]  }
0x89: {  	s3 =	sld [smem:$0x3FFE];
	_ =	sdelay $0x1  }
0x8a: {  	s1 =	srdreg.scid  }
0x8b: {  	s0 =	sand.u32 $0x1, s1  }
0x8c: {  	s17 =	sshll.u32 s0, $0xA;
	s2 =	sadd.s32 s3, s2  }
0x8d: {  	s2 =	sadd.s32 s2, s17  }
0x8e: {  	[smem:$0x3FC6] =	sst s2  }
0x8f: {  	_ = 	snop  }
0x90: {  	s18 =	sld [smem:$0x3FD0];
	(tm) =	ssettm $0x1  }
0x91: {  	s19 =	sld [smem:$0x3FFB];
	_ =	sdelay $0x3  }
0x92: {  	_ =	strace s19  }
0x93: {  	s2 =	sld [smem:$0x3FFC];
	_ =	sdelay $0x3  }
0x94: {  	_ =	strace s2  }
0x95: {  	s2 =	sld [smem:$0x3FFD];
	_ =	sdelay $0x3  }
0x96: {  	_ =	strace s2  }
0x97: {  	_ =	strace $0x8FFFFFFF  }
0x98: {  	s20 =	sld [smem:$0x3FDB];
	_ =	sdelay $0x1  }
0x99: {  	s4 =	simm.s32 $_scs_section_size  }
0x9a: {  	s5 =	simm.s32 $_size__tile_overlayer_lowered;
	s6 =	simm.s32 $_tile_overlayer_lowered  }
0x9b: {  	s7 =	simm.s32 $0x1BFF;
	s21 =	sshll.u32 s6, $0x1;
	s4 =	sadd.s32 s4, s20  }
0x9c: {  	s22 =	simm.s32 $0x0;
	s5 =	sshll.u32 s5, $0x1;
	s6 =	sadd.s32 s21, s4  }
0x9d: {  	[timem:s22], [sflag:s7] =	dma.local [hbm:s6], s5  }
0x9e: {  	_ =	swait.ge [sflag:s7], s5  }
0x9f: {  	s5 =	ssub.s32 $0x0, s5;
	[sflag:s7] =	ssyncset.done $0x0  }
0xa0: {  	[sflag:s7] =	ssyncadd.s32 s5;
	_ =	sdelay $0x1  }
0xa1: {  	s23 =	simm.s32 $0x1B8B  }
0xa2: {  	_ =	swait.ge [sflag:s23], $0x1  }
0xa3: {  	[sflag:s23] =	ssyncset.done $0x0  }
0xa4: {  	[sflag:s23] =	ssyncadd.s32 $0xFFFFFFFF  }
0xa5: {  	s5 =	sld [smem:$0x0]  }
0xa6: {  	s6 =	sand.u32 $0xFFFFFFFE, s1  }
0xa7: {  	p0 =	sne.s32 s1, s6  }
0xa8: {  	s6 =	sshll.u32 @p0 s6, $0xE  }
0xa9: {  	s6 =	sadd.s32 @p0 $0x11B8D, s6;
	s7 =	sshll.u32 @p0 s5, $0x11  }
0xaa: {  	s6 =	sor.u32 @p0 s7, s6  }
0xab: {  	[sflag:s6] =	ssyncadd.remote.s32 @p0 $0x1;
	_ =	sdelay $0x1  }
0xac: {  	s6 =	simm.s32 @p0 $0x1B8D  }
0xad: {  	_ =	swait.eq @p0 [sflag:s6], $0x1  }
0xae: {  	[sflag:s6] =	ssyncadd.s32 @p0 $0xFFFFFFFF  }
0xaf: {  	s7 =	sshll.u32 @!p0 s1, $0xE  }
0xb0: {  	s7 =	sor.u32 @!p0 $0x4000, s7;
	s6 =	simm.s32 @!p0 $0x1B8D  }
0xb1: {  	s5 =	sshll.u32 @!p0 s5, $0x11;
	s7 =	sadd.s32 @!p0 $0x11B8D, s7;
	_ =	swait.eq @!p0 [sflag:s6], $0x1  }
0xb2: {  	s5 =	sor.u32 @!p0 s5, s7;
	[sflag:s6] =	ssyncadd.s32 @!p0 $0xFFFFFFFF  }
0xb3: {  	s25 =	simm.s32 $0x1B8E;
	s24 =	sld [smem:$0x3FFE];
	[sflag:s5] =	ssyncadd.remote.s32 @!p0 $0x1  }
0xb4: {  	s26 =	simm.s32 $execute0_lowered;
	[smem:$0x3FD2] =	sst s25  }
0xb5: {  	s6 =	sshll.u32 s26, $0x1;
	_ =	strace $0x8000004C;
	[dreg:$0x1] =	wrdreg $0xFFFFFFFF  }
0xb6: {  	s28 =	simm.s32 $_size_execute0_lowered;
	s4 =	sadd.s32 s4, s6;
	[dreg:$0x0] =	wrdreg $0x0  }
0xb7: {  	s6 =	sshll.u32 s28, $0x1;
	[dreg:$0x2] =	wrdreg s4  }
0xb8: {  	[dreg:$0x3] =	wrdreg s6  }
0xb9: {  	[dreg:$0x4] =	wrdreg $0xC0  }
0xba: {  	_ =	task [dreg:s22], $0x5FFFF  }
0xbb: {  	[dreg:$0x1] =	wrdreg $0xFFFFFFFF  }
0xbc: {  	[dreg:$0x0] =	wrdreg $0x60  }
0xbd: {  	[dreg:$0x2] =	wrdreg s18  }
0xbe: {  	[dreg:$0x3] =	wrdreg s24  }
0xbf: {  	[dreg:$0x4] =	wrdreg $0x11D000  }
0xc0: {  	[dreg:$0x5] =	wrdreg $0xA  }
0xc1: {  	_ =	task.clear_ibuf [dreg:s22], $0x6FFFF;
	_ =	strace $0x9000004C  }
0xc2: {  	s29 =	simm.s32 $0xA;
	_ =	strace $0x8000004E  }
0xc3: {  	_ =	swait.ge [sflag:s29], $0x1  }
0xc4: {  	[sflag:s29] =	ssyncadd.s32 $0xFFFFFFFF  }
0xc5: {  	_ =	strace $0x9000004E  }
0xc6: {  	_ =	sfence  }
0xc7: {  	s30 =	sld [smem:$0x0];
	_ =	sdelay $0x2  }
0xc8: {  	s31 =	sshll.u32 s1, $0xD;
	s1 =	sshrl.u32 s1, $0x2  }
0xc9: {  	s4 =	sand.u32 $0x4000, s31;
	s1 =	sadd.s32 s1, s30  }
0xca: {  	s0 =	sor.u32 s4, s0;
	s1 =	sshll.u32 s1, $0x11  }
0xcb: {  	s0 =	sor.u32 s1, s0  }
0xcc: {  	s0 =	sadd.s32 $0x8F2B, s0  }
0xcd: {  	[sflag:s0] =	ssyncadd.remote.s32 $0x1  }
0xce: {  	_ =	sfence.sel $0xFFFF  }
0xcf: {  	[dreg:$0x0] =	wrdreg $0xFFFFFFFF;
	(pc) =	sbr.abs _section_cstart, $3  }
0xd0: {  	[dreg:$0x1] =	wrdreg $0xFFFFFFFF  }
0xd1: {  	_ =	task.clear_ibuf [dreg:s22], $0x2FFFF;
	_ =	strace $0x9FFFFFFF  }
0xd2: {  	(tm) =	ssettm $0x7FFFFFFF  }
0xd3: {  	_ =	shalt  }
tec
execute0_lowered:
.L_overlay_start_1:
0x0: {  	(tag) =	ssettag $0x1  }
0x1: {  	s0 =	rddreg [dreg:$0x0]  }
0x2: {  	s1 =	rddreg [dreg:$0x1]  }
0x3: {  	s11 =	stileid.u32;
	s3 =	srdreg.scid  }
0x4: {  	s2 =	rddreg [dreg:$0x2];
	s12 =	simm.s32 $0x9;
	s13 =	simm.s32 $0x5000  }
0x5: {  	s14 =	simm.s32 $0x7D;
	s15 =	simm.s32 $0xA000;
	s17 =	simm.s32 $0xBF40  }
0x6: {  	s19 =	simm.s32 $0xDE80;
	s20 =	simm.s32 $0x1;
	s22 =	simm.s32 $0xFDC0  }
0x7: {  	s28 =	simm.s32 $0x6;
	s29 =	simm.s32 $0x4;
	s30 =	simm.s32 $0x7  }
0x8: {  	s31 =	simm.s32 $0x8;
	s16 =	simm.s32 $0x0;
	s4 =	smul.u32 $0x5000, s11  }
0x9: {  	s5 =	sand.u32 $0x1, s3;
	s6 =	smul.u32 $0xA000, s11;
	s3 =	simm.s32 $0x0  }
0xa: {  	s24 =	sshll.u32 s11, $0x6;
	s7 =	smul.u32 $0xA0000, s5;
	[smem:$0x7FF] =	sst s3  }
0xb: {  	s9 =	ssub.s32 $0x2, s5;
	s25 =	smul.u32 $0x13880, s5;
	s5 =	sor.u32 $0x1C09, s24  }
0xc: {  	_ =	strace $0x8000004D;
	s4 =	sshrl.u32 s4, $0x3;
	s23 =	sshrl.u32 s9, $0x1  }
0xd: {  	s26 =	sadd.s32 s6, s2;
	s7 =	sadd.s32 s6, s7;
	s8 =	sadd.s32 s4, s1  }
0xe: {  	s4 =	sadd.s32 $0x33A00, s1;
	s10 =	ssub.s32 s9, s23;
	s11 =	sshrl.u32 s26, $0x3  }
0xf: {  	s23 =	simm.s32 $0x2;
	s26 =	simm.s32 $0x3;
	s7 =	sshrl.u32 s7, $0x3  }
0x10: {  	s6 =	sadd.s32 $0x1FA00, s8;
	s10 =	smax.u32 s10, $0x1;
	s1 =	sadd.s32 s7, s1  }
0x11: {  	s7 =	sadd.s32 $0x29A00, s8;
	s8 =	sadd.s32 s0, s25;
	s25 =	simm.s32 $0x5  }
0x12: {  	s0 =	simm.s32 $0x9F80;
	s9 =	sadd.s32 $0x34E00, s1;
	s1 =	simm.s32 $0x9F00  }
.LBB2_1:
0x13: {  	[spmem:s11], [sflag:s5] =	dma.local [hbm:s4], $0x1400  }
0x14: {  	_ =	swait.ge [sflag:s12], $0x1400  }
0x15: {  	[sflag:s12] =	ssyncset.done $0x0  }
0x16: {  	[sflag:s12] =	ssyncadd.s32 $0xFFFFEC00  }
0x17: {  	[tilespmem:s3], [sflag:$0x9] =	stream.linear.gather [hbm4b:s6+s3], $0x5000, $0x38;
	[tilespmem:$0x1BD00] =	vst v63  }
0x18: {  	_ =	swait.ge [sflag:s12], $0x5000  }
0x19: {  	[sflag:s12] =	ssyncset.done $0x0  }
0x1a: {  	[sflag:s12] =	ssyncadd.s32 $0xFFFFB000  }
0x1b: {  	[tilespmem:s13], [sflag:$0x9] =	stream.linear.gather [hbm4b:s7+s3], $0x5000, $0x38;
	[tilespmem:$0x1BD00] =	vst v63  }
0x1c: {  	_ =	swait.ge [sflag:s12], $0x5000  }
0x1d: {  	[sflag:s12] =	ssyncset.done $0x0  }
0x1e: {  	[sflag:s12] =	ssyncadd.s32 $0xFFFFB000  }
0x1f: {  	[bflag:$0x0] =	sbarrier.arrive $0xFFFF  }
0x20: {  	[tilespmem:s15], [sflag:$0x1] =	stream.indirect.gather [hbm4b:s8+s14], $0x40, s3, s14, $0xb8;
	[tilespmem:$0x1BD00] =	vst v63  }
0x21: {  	s18 =	simm.s32 $0x80  }
0x22: {  	[tilespmem:s17], [sflag:$0x2] =	stream.indirect.gather [hbm4b:s8+s14], $0x40, s18, s14, $0xb8;
	[tilespmem:$0x1BD00] =	vst v63  }
0x23: {  	s21 =	simm.s32 $0x100  }
0x24: {  	[tilespmem:s19], [sflag:$0x3] =	stream.indirect.gather [hbm4b:s8+s14], $0x40, s21, s14, $0xb8;
	[tilespmem:$0x1BD00] =	vst v63  }
0x25: {  	_ =	swait.ge [sflag:s20], $0x1F40  }
0x26: {  	[sflag:s20] =	ssyncset.done $0x0  }
0x27: {  	[sflag:s20] =	ssyncadd.s32 $0xFFFFE0C0  }
0x28: {  	[spmem:s2] =	stream.indirect.scatter.add.f32 [tilespmem:s15], [sflag:$0x5], $0x40, s13, s14, $0xb8;
	[tilespmem:$0x1BD00] =	vst v63  }
0x29: {  	s24 =	simm.s32 $0x180  }
0x2a: {  	[tilespmem:s22], [sflag:$0x4] =	stream.indirect.gather [hbm4b:s8+s14], $0x40, s24, s14, $0xb8;
	[tilespmem:$0x1BD00] =	vst v63  }
0x2b: {  	_ =	swait.ge [sflag:s23], $0x1F40  }
0x2c: {  	[sflag:s23] =	ssyncset.done $0x0  }
0x2d: {  	s21 =	simm.s32 $0x5080;
	[sflag:s23] =	ssyncadd.s32 $0xFFFFE0C0  }
0x2e: {  	[spmem:s2] =	stream.indirect.scatter.add.f32 [tilespmem:s17], [sflag:$0x6], $0x40, s21, s14, $0xb8;
	[tilespmem:$0x1BD00] =	vst v63  }
0x2f: {  	_ =	swait.ge [sflag:s25], $0x1F40  }
0x30: {  	[sflag:s25] =	ssyncset.done $0x0  }
0x31: {  	s24 =	simm.s32 $0x200;
	[sflag:s25] =	ssyncadd.s32 $0xFFFFE0C0  }
0x32: {  	[tilespmem:s15], [sflag:$0x1] =	stream.indirect.gather [hbm4b:s8+s14], $0x40, s24, s14, $0xb8;
	[tilespmem:$0x1BD00] =	vst v63  }
0x33: {  	_ =	swait.ge [sflag:s26], $0x1F40  }
0x34: {  	[sflag:s26] =	ssyncset.done $0x0  }
0x35: {  	s21 =	simm.s32 $0x5100;
	[sflag:s26] =	ssyncadd.s32 $0xFFFFE0C0  }
0x36: {  	[spmem:s2] =	stream.indirect.scatter.add.f32 [tilespmem:s19], [sflag:$0x7], $0x40, s21, s14, $0xb8;
	[tilespmem:$0x1BD00] =	vst v63  }
0x37: {  	_ =	swait.ge [sflag:s28], $0x1F40  }
0x38: {  	[sflag:s28] =	ssyncset.done $0x0  }
0x39: {  	s24 =	simm.s32 $0x280;
	[sflag:s28] =	ssyncadd.s32 $0xFFFFE0C0  }
0x3a: {  	[tilespmem:s17], [sflag:$0x2] =	stream.indirect.gather [hbm4b:s8+s14], $0x40, s24, s14, $0xb8;
	[tilespmem:$0x1BD00] =	vst v63  }
0x3b: {  	_ =	swait.ge [sflag:s29], $0x1F40  }
0x3c: {  	[sflag:s29] =	ssyncset.done $0x0  }
0x3d: {  	s21 =	simm.s32 $0x5180;
	[sflag:s29] =	ssyncadd.s32 $0xFFFFE0C0  }
0x3e: {  	[spmem:s2] =	stream.indirect.scatter.add.f32 [tilespmem:s22], [sflag:$0x8], $0x40, s21, s14, $0xb8;
	[tilespmem:$0x1BD00] =	vst v63  }
0x3f: {  	_ =	swait.ge [sflag:s30], $0x1F40  }
0x40: {  	[sflag:s30] =	ssyncset.done $0x0  }
0x41: {  	s24 =	simm.s32 $0x300;
	[sflag:s30] =	ssyncadd.s32 $0xFFFFE0C0  }
0x42: {  	[tilespmem:s19], [sflag:$0x3] =	stream.indirect.gather [hbm4b:s8+s14], $0x40, s24, s14, $0xb8;
	[tilespmem:$0x1BD00] =	vst v63  }
0x43: {  	_ =	swait.ge [sflag:s20], $0x1F40  }
0x44: {  	[sflag:s20] =	ssyncset.done $0x0  }
0x45: {  	s21 =	simm.s32 $0x5200;
	[sflag:s20] =	ssyncadd.s32 $0xFFFFE0C0  }
0x46: {  	[spmem:s2] =	stream.indirect.scatter.add.f32 [tilespmem:s15], [sflag:$0x5], $0x40, s21, s14, $0xb8;
	[tilespmem:$0x1BD00] =	vst v63  }
0x47: {  	_ =	swait.ge [sflag:s31], $0x1F40  }
0x48: {  	[sflag:s31] =	ssyncset.done $0x0  }
0x49: {  	s24 =	simm.s32 $0x380;
	[sflag:s31] =	ssyncadd.s32 $0xFFFFE0C0  }
0x4a: {  	[tilespmem:s22], [sflag:$0x4] =	stream.indirect.gather [hbm4b:s8+s14], $0x40, s24, s14, $0xb8;
	[tilespmem:$0x1BD00] =	vst v63  }
0x4b: {  	_ =	swait.ge [sflag:s23], $0x1F40  }
0x4c: {  	[sflag:s23] =	ssyncset.done $0x0  }
0x4d: {  	s18 =	simm.s32 $0x800;
	s21 =	simm.s32 $0x5280;
	[sflag:s23] =	ssyncadd.s32 $0xFFFFE0C0  }
.LBB2_2:
0x4e: {  	[spmem:s2] =	stream.indirect.scatter.add.f32 [tilespmem:s17], [sflag:$0x6], $0x40, s21, s14, $0xb8;
	[tilespmem:$0x1BD00] =	vst v63  }
0x4f: {  	s21 =	smov.u32 s18  }
0x50: {  	p0 =	sne.s32 s18, $0x13000;
	s18 =	sadd.s32 $0x800, s18;
	_ =	swait.ge [sflag:s25], $0x1F40  }
0x51: {  	s21 =	sshra.s32 s21, $0x2;
	[sflag:s25] =	ssyncset.done $0x0  }
0x52: {  	s24 =	sadd.s32 $0x200, s21;
	[sflag:s25] =	ssyncadd.s32 $0xFFFFE0C0  }
0x53: {  	[tilespmem:s15], [sflag:$0x1] =	stream.indirect.gather [hbm4b:s8+s14], $0x40, s24, s14, $0xb8;
	[tilespmem:$0x1BD00] =	vst v63  }
0x54: {  	_ =	swait.ge [sflag:s26], $0x1F40  }
0x55: {  	[sflag:s26] =	ssyncset.done $0x0  }
0x56: {  	s24 =	sadd.s32 $0x5100, s21;
	[sflag:s26] =	ssyncadd.s32 $0xFFFFE0C0  }
0x57: {  	[spmem:s2] =	stream.indirect.scatter.add.f32 [tilespmem:s19], [sflag:$0x7], $0x40, s24, s14, $0xb8;
	[tilespmem:$0x1BD00] =	vst v63  }
0x58: {  	_ =	swait.ge [sflag:s28], $0x1F40  }
0x59: {  	[sflag:s28] =	ssyncset.done $0x0  }
0x5a: {  	s24 =	sadd.s32 $0x280, s21;
	[sflag:s28] =	ssyncadd.s32 $0xFFFFE0C0  }
0x5b: {  	[tilespmem:s17], [sflag:$0x2] =	stream.indirect.gather [hbm4b:s8+s14], $0x40, s24, s14, $0xb8;
	[tilespmem:$0x1BD00] =	vst v63  }
0x5c: {  	_ =	swait.ge [sflag:s29], $0x1F40  }
0x5d: {  	[sflag:s29] =	ssyncset.done $0x0  }
0x5e: {  	s24 =	sadd.s32 $0x5180, s21;
	[sflag:s29] =	ssyncadd.s32 $0xFFFFE0C0  }
0x5f: {  	[spmem:s2] =	stream.indirect.scatter.add.f32 [tilespmem:s22], [sflag:$0x8], $0x40, s24, s14, $0xb8;
	[tilespmem:$0x1BD00] =	vst v63  }
0x60: {  	_ =	swait.ge [sflag:s30], $0x1F40  }
0x61: {  	[sflag:s30] =	ssyncset.done $0x0  }
0x62: {  	s24 =	sadd.s32 $0x300, s21;
	[sflag:s30] =	ssyncadd.s32 $0xFFFFE0C0  }
0x63: {  	[tilespmem:s19], [sflag:$0x3] =	stream.indirect.gather [hbm4b:s8+s14], $0x40, s24, s14, $0xb8;
	[tilespmem:$0x1BD00] =	vst v63  }
0x64: {  	_ =	swait.ge [sflag:s20], $0x1F40  }
0x65: {  	[sflag:s20] =	ssyncset.done $0x0  }
0x66: {  	s24 =	sadd.s32 $0x5200, s21;
	[sflag:s20] =	ssyncadd.s32 $0xFFFFE0C0  }
0x67: {  	[spmem:s2] =	stream.indirect.scatter.add.f32 [tilespmem:s15], [sflag:$0x5], $0x40, s24, s14, $0xb8;
	[tilespmem:$0x1BD00] =	vst v63  }
0x68: {  	_ =	swait.ge [sflag:s31], $0x1F40  }
0x69: {  	[sflag:s31] =	ssyncset.done $0x0  }
.Ltmp0:
0x6a: {  	s24 =	sadd.s32 $0x380, s21;
	[sflag:s31] =	ssyncadd.s32 $0xFFFFE0C0;
	(pc) =	sbr.rel @p0 .LBB2_2-.Ltmp0, $4  }
0x6b: {  	[tilespmem:s22], [sflag:$0x4] =	stream.indirect.gather [hbm4b:s8+s14], $0x40, s24, s14, $0xb8;
	[tilespmem:$0x1BD00] =	vst v63  }
0x6c: {  	_ =	swait.ge [sflag:s23], $0x1F40  }
0x6d: {  	[sflag:s23] =	ssyncset.done $0x0  }
0x6e: {  	s21 =	sadd.s32 $0x5280, s21;
	[sflag:s23] =	ssyncadd.s32 $0xFFFFE0C0  }
0x6f: {  	[spmem:s2] =	stream.indirect.scatter.add.f32 [tilespmem:s17], [sflag:$0x6], $0x40, s21, s14, $0xb8;
	[tilespmem:$0x1BD00] =	vst v63  }
0x70: {  	_ =	swait.ge [sflag:s25], $0x1F40  }
0x71: {  	[sflag:s25] =	ssyncset.done $0x0  }
0x72: {  	[sflag:s25] =	ssyncadd.s32 $0xFFFFE0C0  }
0x73: {  	_ =	swait.ge [sflag:s26], $0x1F40  }
0x74: {  	[sflag:s26] =	ssyncset.done $0x0  }
0x75: {  	[sflag:s26] =	ssyncadd.s32 $0xFFFFE0C0  }
0x76: {  	[spmem:s2] =	stream.indirect.scatter.add.f32 [tilespmem:s19], [sflag:$0x7], $0x40, s1, s14, $0xb8;
	[tilespmem:$0x1BD00] =	vst v63  }
0x77: {  	_ =	swait.ge [sflag:s28], $0x1F40  }
0x78: {  	[sflag:s28] =	ssyncset.done $0x0  }
0x79: {  	[sflag:s28] =	ssyncadd.s32 $0xFFFFE0C0  }
0x7a: {  	_ =	swait.ge [sflag:s29], $0x1F40  }
0x7b: {  	[sflag:s29] =	ssyncset.done $0x0  }
0x7c: {  	[sflag:s29] =	ssyncadd.s32 $0xFFFFE0C0  }
0x7d: {  	[spmem:s2] =	stream.indirect.scatter.add.f32 [tilespmem:s22], [sflag:$0x8], $0x40, s0, s14, $0xb8;
	[tilespmem:$0x1BD00] =	vst v63  }
0x7e: {  	_ =	swait.ge [sflag:s30], $0x1F40  }
0x7f: {  	[sflag:s30] =	ssyncset.done $0x0  }
0x80: {  	[sflag:s30] =	ssyncadd.s32 $0xFFFFE0C0  }
0x81: {  	_ =	swait.ge [sflag:s31], $0x1F40  }
0x82: {  	s16 =	sadd.s32 $0x1, s16;
	[sflag:s31] =	ssyncset.done $0x0  }
0x83: {  	p0 =	sne.s32 s16, s10;
	[sflag:s31] =	ssyncadd.s32 $0xFFFFE0C0  }
.Ltmp1:
0x84: {  	[bflag:$0x0] =	sbarrier.arrive $0xFFFF;
	(pc) =	sbr.rel @p0 .LBB2_1-.Ltmp1, $4  }
0x85: {  	[hbm:s9], [sflag:s5] =	dma.local [spmem:s11], $0x1400  }
0x86: {  	_ =	swait.ge [sflag:s12], $0x1400  }
0x87: {  	[sflag:s12] =	ssyncset.done $0x0  }
0x88: {  	[sflag:s12] =	ssyncadd.s32 $0xFFFFEC00  }
0x89: {  	_ =	sfence.sel $0x180000  }
0x8a: {  	[bflag:$0x0] =	sbarrier.arrive $0xFFFF  }
0x8b: {  	_ =	strace $0x9000004D  }
0x8c: {  	s0 =	stileid.u32;
	[bflag:$0x2] =	sbarrier.arrive $0xFFFF  }
0x8d: {  	p0 =	sne.s32 s0, $0x0;
	s0 =	rddreg [dreg:$0x3]  }
0x8e: {  	s0 =	sadd.s32 @!p0 $0x100000, s0  }
0x8f: {  	[sflag:s0] =	ssyncadd.tile.s32 @!p0 $0x1;
	_ =	shalt  }
.Lfunc_end2:
_tile_overlayer_lowered:
.L_overlay_start_2:
0x90: {  	(tag) =	ssettag $0x2  }
0x91: {  	s0 =	rddreg [dreg:$0x0];
	s2 =	stileid.u32  }
0x92: {  	s1 =	rddreg [dreg:$0x1];
	p0 =	sne.s32 s2, $0x0  }
0x93: {  	s3 =	rddreg [dreg:$0x2];
	[bflag:$0x3] =	sbarrier.arrive $0xFFFF;
	s2 =	simm.s32 @!p0 $0x1C09  }
0x94: {  	[timem:s3], [sflag:s2] =	dma.local @!p0 [hbm:s0], s1  }
0x95: {  	s0 =	simm.s32 @!p0 $0x9  }
0x96: {  	_ =	swait.ge @!p0 [sflag:s0], s1  }
0x97: {  	s1 =	ssub.s32 @!p0 $0x0, s1;
	[sflag:s0] =	ssyncset.done @!p0 $0x0  }
0x98: {  	[sflag:s0] =	ssyncadd.s32 @!p0 s1  }
0x99: {  	[bflag:$0x3] =	sbarrier.arrive $0xFFFF  }
0x9a: {  	_ =	shalt  }

</sc_bundles>
